<compile_context>
chip_gen: v7x
topology: tpu7x:2x2x1
jax: 0.10.2.dev20260603
libtpu: 0.0.44.dev20260713+nightly
codegen_flags: <defaults>
</compile_context>

<pallas_src>
import functools

import jax
import jax.numpy as jnp
from jax import lax
from jax.experimental import pallas as pl
from jax.experimental.pallas import tpu as pltpu
from jax.experimental.pallas import tpu_sc as plsc

N = 10000
D = 128
N_PAD = 10240
NW = 32
CHUNK = 128
RPT = N_PAD // 16
CHUNKS = 80


@functools.lru_cache(maxsize=None)
def _mesh():
    return plsc.VectorSubcoreMesh(core_axis_name="c", subcore_axis_name="s")


@functools.lru_cache(maxsize=None)
def _deg_kernel():
    @functools.partial(
        pl.kernel,
        out_type=jax.ShapeDtypeStruct((2, N_PAD), jnp.float32),
        mesh=_mesh(),
        scratch_types=[
            pltpu.VMEM_SHARED((N_PAD,), jnp.float32),
            pltpu.VMEM((CHUNKS, CHUNK), jnp.int32),
            pltpu.VMEM((CHUNK,), jnp.float32),
        ],
    )
    def deg(dst_hbm, ones_hbm, zeros_hbm, out_hbm, acc_sh, idx_v, ones_v):
        c = lax.axis_index("c")
        s = lax.axis_index("s")
        wid = s * 2 + c
        pltpu.sync_copy(dst_hbm.at[wid], idx_v)
        pltpu.sync_copy(ones_hbm, ones_v)
        pltpu.sync_copy(zeros_hbm, acc_sh.at[pl.ds(s * RPT, RPT)])
        plsc.subcore_barrier()

        def body(j, carry):
            pltpu.sync_copy(ones_v, acc_sh.at[idx_v.at[j]], add=True)
            return carry

        lax.fori_loop(0, CHUNKS, body, 0)
        plsc.subcore_barrier()
        pltpu.sync_copy(acc_sh.at[pl.ds(s * RPT, RPT)],
                        out_hbm.at[c, pl.ds(s * RPT, RPT)])

    return deg


@functools.lru_cache(maxsize=None)
def _agg_kernel():
    @functools.partial(
        pl.kernel,
        out_type=jax.ShapeDtypeStruct((2, N_PAD, D), jnp.float32),
        mesh=_mesh(),
        scratch_types=[
            pltpu.VMEM_SHARED((N_PAD, D), jnp.float32),
            pltpu.VMEM((CHUNKS, CHUNK), jnp.int32),
            pltpu.VMEM((CHUNKS, CHUNK), jnp.int32),
            pltpu.VMEM((CHUNK, D), jnp.float32),
        ],
    )
    def agg(g_hbm, src_hbm, dst_hbm, zeros_hbm, out_hbm,
            acc_sh, src_v, dst_v, rows_v):
        c = lax.axis_index("c")
        s = lax.axis_index("s")
        wid = s * 2 + c
        pltpu.sync_copy(src_hbm.at[wid], src_v)
        pltpu.sync_copy(dst_hbm.at[wid], dst_v)
        pltpu.sync_copy(zeros_hbm, acc_sh.at[pl.ds(s * RPT, RPT)])
        plsc.subcore_barrier()

        def body(j, carry):
            pltpu.sync_copy(g_hbm.at[src_v.at[j]], rows_v)
            pltpu.sync_copy(rows_v, acc_sh.at[dst_v.at[j]], add=True)
            return carry

        lax.fori_loop(0, CHUNKS, body, 0)
        plsc.subcore_barrier()
        pltpu.sync_copy(acc_sh.at[pl.ds(s * RPT, RPT)],
                        out_hbm.at[c, pl.ds(s * RPT, RPT)])

    return agg


def _dinv_body(deg_ref, dinv_ref):
    d = deg_ref[0:1, :] + deg_ref[1:2, :] + 1.0
    n = lax.broadcasted_iota(jnp.int32, (1, N_PAD), 1)
    ok = (n < N) & (d > 0)
    dinv_ref[...] = jnp.where(ok, lax.rsqrt(jnp.maximum(d, 1e-12)), 0.0)


def _scale_mm_body(x_ref, w_ref, dinv_ref, g_ref):
    g_ref[...] = jnp.dot(x_ref[...], w_ref[...],
                         preferred_element_type=jnp.float32) * dinv_ref[...]


def _mid_body(s_ref, g_ref, dinv_ref, b_ref, w_ref, g2_ref):
    h = dinv_ref[...] * (s_ref[0] + s_ref[1] + g_ref[...]) + b_ref[...]
    h = jnp.maximum(h, 0.0)
    g2_ref[...] = jnp.dot(h, w_ref[...],
                          preferred_element_type=jnp.float32) * dinv_ref[...]


def _fin_body(s_ref, g_ref, dinv_ref, b_ref, wo_ref, bo_ref, p_ref):
    h = dinv_ref[...] * (s_ref[0] + s_ref[1] + g_ref[...]) + b_ref[...]
    h = jnp.maximum(h, 0.0)
    logit = jnp.sum(h * wo_ref[...], axis=1, keepdims=True) + bo_ref[0, 0]
    n = lax.broadcasted_iota(jnp.int32, (N_PAD, 1), 0)
    mask = n < N
    logit = jnp.where(mask, logit, -jnp.inf)
    m = jnp.max(logit)
    e = jnp.where(mask, jnp.exp(logit - m), 0.0)
    p_ref[...] = e / jnp.sum(e)


def _edge_slabs(edge_row):
    E = edge_row.shape[0]
    cap = NW * CHUNKS * CHUNK
    assert cap >= E
    flat = jnp.concatenate([edge_row, jnp.full((cap - E,), N, jnp.int32)])
    return flat.reshape(NW, CHUNKS, CHUNK)


def kernel(x, edge_index, W1, b1, W2, b2, Wo, bo):
    src = _edge_slabs(edge_index[0])
    dst = _edge_slabs(edge_index[1])
    x_pad = jnp.concatenate(
        [x.astype(jnp.float32), jnp.zeros((N_PAD - N, D), jnp.float32)])
    zeros_rows = jnp.zeros((RPT, D), jnp.float32)
    zeros_deg = jnp.zeros((RPT,), jnp.float32)
    ones_chunk = jnp.ones((CHUNK,), jnp.float32)

    deg2 = _deg_kernel()(dst, ones_chunk, zeros_deg)

    dinv_row = pl.pallas_call(
        _dinv_body,
        out_shape=jax.ShapeDtypeStruct((1, N_PAD), jnp.float32),
    )(deg2)
    dinv_col = dinv_row.reshape(N_PAD, 1)

    g1 = pl.pallas_call(
        _scale_mm_body,
        out_shape=jax.ShapeDtypeStruct((N_PAD, D), jnp.float32),
    )(x_pad, W1, dinv_col)

    S1 = _agg_kernel()(g1, src, dst, zeros_rows)

    g2 = pl.pallas_call(
        _mid_body,
        out_shape=jax.ShapeDtypeStruct((N_PAD, D), jnp.float32),
    )(S1, g1, dinv_col, b1.reshape(1, D), W2)

    S2 = _agg_kernel()(g2, src, dst, zeros_rows)

    p = pl.pallas_call(
        _fin_body,
        out_shape=jax.ShapeDtypeStruct((N_PAD, 1), jnp.float32),
    )(S2, g2, dinv_col, b2.reshape(1, D), Wo.reshape(1, D), bo.reshape(1, 1))

    return p[:N, 0]

# --- scband reference (transcript-rebuilt; emitter-appended) ---
"""Pipeline reference for scband-graph-policy-network-32650341384872 (READ-ONLY COPY).

The authoritative reference and input builder live on the scoring server;
editing this copy changes nothing except your own understanding.
"""

import jax, jax.numpy as jnp
import numpy as np

N = 10000
E = 320000
D = 128
H = 128


def setup_inputs(seed: int = 0) -> dict:
    key = jax.random.key(seed)
    ks = jax.random.split(key, 8)
    x = jax.random.normal(ks[0], (N, D), dtype=jnp.float32)
    edge_index = jax.random.randint(ks[1], (2, E), 0, N, dtype=jnp.int32)
    W1 = jax.random.normal(ks[2], (D, H), dtype=jnp.float32) / np.sqrt(D)
    b1 = jnp.zeros((H,), dtype=jnp.float32)
    W2 = jax.random.normal(ks[3], (H, H), dtype=jnp.float32) / np.sqrt(H)
    b2 = jnp.zeros((H,), dtype=jnp.float32)
    Wo = jax.random.normal(ks[4], (H, 1), dtype=jnp.float32) / np.sqrt(H)
    bo = jnp.zeros((1,), dtype=jnp.float32)
    return {"x": x, "edge_index": edge_index, "W1": W1, "b1": b1, "W2": W2, "b2": b2, "Wo": Wo, "bo": bo}


def _gcn_conv(x, edge_index, W, b):
    # Faithful GCNConv: linear transform, add self-loops, symmetric deg^-1/2 normalization,
    # scatter-add aggregation over destination nodes, plus bias.
    n = x.shape[0]
    loops = jnp.arange(n, dtype=edge_index.dtype)
    src = jnp.concatenate([edge_index[0], loops])
    dst = jnp.concatenate([edge_index[1], loops])
    deg = jax.ops.segment_sum(jnp.ones_like(dst, dtype=x.dtype), dst, num_segments=n)
    dinv = jnp.where(deg > 0, jax.lax.rsqrt(jnp.maximum(deg, 1e-12)), 0.0)
    norm = dinv[src] * dinv[dst]
    h = x @ W
    msgs = h[src] * norm[:, None]
    out = jax.ops.segment_sum(msgs, dst, num_segments=n)
    return out + b


def reference(x, edge_index, W1, b1, W2, b2, Wo, bo):
    h = _gcn_conv(x, edge_index, W1, b1)
    h = jax.nn.relu(h)
    h = _gcn_conv(h, edge_index, W2, b2)
    h = jax.nn.relu(h)
    logits = (h @ Wo + bo).squeeze(-1)
    probs = jax.nn.softmax(logits, axis=0)
    return probs

if __name__ == "__main__":
    import jax
    _d = setup_inputs()
    print(jax.jit(kernel)(*tuple(_d.values())))

</pallas_src>

<mosaic_0001>
#map = affine_map<(d0, d1) -> (0, 0, 0)>
#map1 = affine_map<(d0, d1) -> (0)>
#map2 = affine_map<(d0, d1) -> (0, 0)>
module attributes {stable_mosaic.version = 14 : i64} {
  func.func @deg(%arg0: i32, %arg1: i32, %arg2: memref<32x80x128xi32, #tpu.memory_space<hbm>>, %arg3: memref<128xf32, #tpu.memory_space<hbm>>, %arg4: memref<640xf32, #tpu.memory_space<hbm>>, %arg5: memref<2x10240xf32, #tpu.memory_space<hbm>>, %arg6: memref<10240xf32, #tpu.memory_space<vmem_shared>>, %arg7: memref<80x128xi32, #tpu.memory_space<vmem>>, %arg8: memref<128xf32, #tpu.memory_space<vmem>>) attributes {dimension_semantics = [#tpu.dimension_semantics<core_parallel>, #tpu.dimension_semantics<subcore_parallel>], iteration_bounds = array<i64: 2, 16>, scalar_prefetch = 0 : i64, scratch_operands = 3 : i64, tpu.core_type = #tpu.core_type<sc_vector_subcore>, window_params = [{transform_indices = #map}, {transform_indices = #map1}, {transform_indices = #map1}, {transform_indices = #map2}]} {
    %mul3A = arith.constant 2 : i32
    %mul3A_0 = arith.muli %arg1, %mul3A : i32
    %add3A = arith.addi %mul3A_0, %arg0 : i32
    "tpu.region"() ({
      %run_scoped3A = tpu.sem_alloc : memref<!tpu.dma_semaphore, #tpu.memory_space<semaphore_mem>>
      %dma_start3A = arith.constant 0 : i32
      %dma_start3A_13 = arith.constant 0 : i32
      %dma_start3A_14 = tpu.memref_slice %arg2[%add3A, %dma_start3A, %dma_start3A_13] : memref<32x80x128xi32, #tpu.memory_space<hbm>> -> memref<1x80x128xi32, #tpu.memory_space<hbm>>
      %dma_start3A_15 = tpu.memref_squeeze %dma_start3A_14 : memref<1x80x128xi32, #tpu.memory_space<hbm>> -> memref<80x128xi32, #tpu.memory_space<hbm>>
      %dma_start3A_16 = arith.constant 0 : i32
      %dma_start3A_17 = arith.constant 0 : i32
      %dma_start3A_18 = tpu.memref_slice %arg2[%add3A, %dma_start3A_16, %dma_start3A_17] : memref<32x80x128xi32, #tpu.memory_space<hbm>> -> memref<1x80x128xi32, #tpu.memory_space<hbm>>
      %dma_start3A_19 = tpu.memref_squeeze %dma_start3A_18 : memref<1x80x128xi32, #tpu.memory_space<hbm>> -> memref<80x128xi32, #tpu.memory_space<hbm>>
      tpu.enqueue_dma source(%dma_start3A_19 : memref<80x128xi32, #tpu.memory_space<hbm>>) target(%arg7 : memref<80x128xi32, #tpu.memory_space<vmem>>) target_semaphore(%run_scoped3A : memref<!tpu.dma_semaphore, #tpu.memory_space<semaphore_mem>>)
      %dma_wait3A = arith.constant 0 : i32
      %dma_wait3A_20 = arith.constant 0 : i32
      %dma_wait3A_21 = tpu.memref_slice %arg2[%add3A, %dma_wait3A, %dma_wait3A_20] : memref<32x80x128xi32, #tpu.memory_space<hbm>> -> memref<1x80x128xi32, #tpu.memory_space<hbm>>
      %dma_wait3A_22 = tpu.memref_squeeze %dma_wait3A_21 : memref<1x80x128xi32, #tpu.memory_space<hbm>> -> memref<80x128xi32, #tpu.memory_space<hbm>>
      %dma_wait3A_23 = arith.constant 0 : i32
      %dma_wait3A_24 = arith.constant 0 : i32
      %dma_wait3A_25 = tpu.memref_slice %arg2[%add3A, %dma_wait3A_23, %dma_wait3A_24] : memref<32x80x128xi32, #tpu.memory_space<hbm>> -> memref<1x80x128xi32, #tpu.memory_space<hbm>>
      %dma_wait3A_26 = tpu.memref_squeeze %dma_wait3A_25 : memref<1x80x128xi32, #tpu.memory_space<hbm>> -> memref<80x128xi32, #tpu.memory_space<hbm>>
      tpu.wait_dma2 semaphore(%run_scoped3A : memref<!tpu.dma_semaphore, #tpu.memory_space<semaphore_mem>>) src(%dma_wait3A_26 : memref<80x128xi32, #tpu.memory_space<hbm>>) dst(%arg7 : memref<80x128xi32, #tpu.memory_space<vmem>>)
      tpu.yield
    }) : () -> ()
    "tpu.region"() ({
      %run_scoped3A = tpu.sem_alloc : memref<!tpu.dma_semaphore, #tpu.memory_space<semaphore_mem>>
      tpu.enqueue_dma source(%arg3 : memref<128xf32, #tpu.memory_space<hbm>>) target(%arg8 : memref<128xf32, #tpu.memory_space<vmem>>) target_semaphore(%run_scoped3A : memref<!tpu.dma_semaphore, #tpu.memory_space<semaphore_mem>>)
      tpu.wait_dma2 semaphore(%run_scoped3A : memref<!tpu.dma_semaphore, #tpu.memory_space<semaphore_mem>>) src(%arg3 : memref<128xf32, #tpu.memory_space<hbm>>) dst(%arg8 : memref<128xf32, #tpu.memory_space<vmem>>)
      tpu.yield
    }) : () -> ()
    %mul3A_1 = arith.constant 640 : i32
    %mul3A_2 = arith.muli %arg1, %mul3A_1 : i32
    "tpu.region"() ({
      %run_scoped3A = tpu.sem_alloc : memref<!tpu.dma_semaphore, #tpu.memory_space<semaphore_mem>>
      %dma_start3A = tpu.memref_slice %arg6[%mul3A_2] : memref<10240xf32, #tpu.memory_space<vmem_shared>> -> memref<640xf32, #tpu.memory_space<vmem_shared>>
      tpu.enqueue_dma source(%arg4 : memref<640xf32, #tpu.memory_space<hbm>>) target(%dma_start3A : memref<640xf32, #tpu.memory_space<vmem_shared>>) target_semaphore(%run_scoped3A : memref<!tpu.dma_semaphore, #tpu.memory_space<semaphore_mem>>)
      %dma_wait3A = tpu.memref_slice %arg6[%mul3A_2] : memref<10240xf32, #tpu.memory_space<vmem_shared>> -> memref<640xf32, #tpu.memory_space<vmem_shared>>
      tpu.wait_dma2 semaphore(%run_scoped3A : memref<!tpu.dma_semaphore, #tpu.memory_space<semaphore_mem>>) src(%arg4 : memref<640xf32, #tpu.memory_space<hbm>>) dst(%dma_wait3A : memref<640xf32, #tpu.memory_space<vmem_shared>>)
      tpu.yield
    }) : () -> ()
    %barrier3A = arith.constant 0 : index
    tpu.barrier barrier_id(%barrier3A)
    %scan3A = arith.constant 0 : i32
    %scan3A_3 = arith.constant 0 : i32
    %scan3A_4 = arith.constant 80 : i32
    %scan3A_5 = arith.addi %scan3A_3, %scan3A_4 : i32
    %scan3A_6 = arith.constant 1 : i32
    scf.for %scan3A_13 = %scan3A_3 to %scan3A_5 step %scan3A_6  : i32 {
      "tpu.region"() ({
        %run_scoped3A = tpu.sem_alloc : memref<!tpu.dma_semaphore, #tpu.memory_space<semaphore_mem>>
        %dma_start3A = arith.constant 0 : i32
        %dma_start3A_14 = tpu.memref_slice %arg7[%scan3A_13, %dma_start3A] : memref<80x128xi32, #tpu.memory_space<vmem>> -> memref<1x128xi32, #tpu.memory_space<vmem>>
        %dma_start3A_15 = tpu.memref_squeeze %dma_start3A_14 : memref<1x128xi32, #tpu.memory_space<vmem>> -> memref<128xi32, #tpu.memory_space<vmem>>
        %dma_start3A_16 = arith.constant 0 : i32
        %dma_start3A_17 = tpu.memref_slice %arg6[%dma_start3A_16] : memref<10240xf32, #tpu.memory_space<vmem_shared>> -> memref<10240xf32, #tpu.memory_space<vmem_shared>>
        tpu.enqueue_indirect_dma source(%arg8 : memref<128xf32, #tpu.memory_space<vmem>>) target(%dma_start3A_17 : memref<10240xf32, #tpu.memory_space<vmem_shared>>) offsets(%dma_start3A_15 : memref<128xi32, #tpu.memory_space<vmem>>) semaphore(%run_scoped3A : memref<!tpu.dma_semaphore, #tpu.memory_space<semaphore_mem>>) {add = true}
        %dma_wait3A = arith.constant 0 : i32
        %dma_wait3A_18 = tpu.memref_slice %arg7[%scan3A_13, %dma_wait3A] : memref<80x128xi32, #tpu.memory_space<vmem>> -> memref<1x128xi32, #tpu.memory_space<vmem>>
        %dma_wait3A_19 = tpu.memref_squeeze %dma_wait3A_18 : memref<1x128xi32, #tpu.memory_space<vmem>> -> memref<128xi32, #tpu.memory_space<vmem>>
        %dma_wait3A_20 = arith.constant 0 : i32
        %dma_wait3A_21 = tpu.memref_slice %arg6[%dma_wait3A_20] : memref<10240xf32, #tpu.memory_space<vmem_shared>> -> memref<10240xf32, #tpu.memory_space<vmem_shared>>
        tpu.wait_indirect_dma semaphore(%run_scoped3A : memref<!tpu.dma_semaphore, #tpu.memory_space<semaphore_mem>>) src(%arg8 : memref<128xf32, #tpu.memory_space<vmem>>) dst(%dma_wait3A_21 : memref<10240xf32, #tpu.memory_space<vmem_shared>>)
        tpu.yield
      }) : () -> ()
    }
    %scan3A_7 = arith.constant 80 : i32
    %barrier3A_8 = arith.constant 0 : index
    tpu.barrier barrier_id(%barrier3A_8)
    %mul3A_9 = arith.constant 640 : i32
    %mul3A_10 = arith.muli %arg1, %mul3A_9 : i32
    %mul3A_11 = arith.constant 640 : i32
    %mul3A_12 = arith.muli %arg1, %mul3A_11 : i32
    "tpu.region"() ({
      %run_scoped3A = tpu.sem_alloc : memref<!tpu.dma_semaphore, #tpu.memory_space<semaphore_mem>>
      %dma_start3A = tpu.memref_slice %arg5[%arg0, %mul3A_12] : memref<2x10240xf32, #tpu.memory_space<hbm>> -> memref<1x640xf32, #tpu.memory_space<hbm>>
      %dma_start3A_13 = tpu.memref_squeeze %dma_start3A : memref<1x640xf32, #tpu.memory_space<hbm>> -> memref<640xf32, #tpu.memory_space<hbm>>
      %dma_start3A_14 = tpu.memref_slice %arg6[%mul3A_10] : memref<10240xf32, #tpu.memory_space<vmem_shared>> -> memref<640xf32, #tpu.memory_space<vmem_shared>>
      tpu.enqueue_dma source(%dma_start3A_14 : memref<640xf32, #tpu.memory_space<vmem_shared>>) target(%dma_start3A_13 : memref<640xf32, #tpu.memory_space<hbm>>) target_semaphore(%run_scoped3A : memref<!tpu.dma_semaphore, #tpu.memory_space<semaphore_mem>>)
      %dma_wait3A = tpu.memref_slice %arg5[%arg0, %mul3A_12] : memref<2x10240xf32, #tpu.memory_space<hbm>> -> memref<1x640xf32, #tpu.memory_space<hbm>>
      %dma_wait3A_15 = tpu.memref_squeeze %dma_wait3A : memref<1x640xf32, #tpu.memory_space<hbm>> -> memref<640xf32, #tpu.memory_space<hbm>>
      %dma_wait3A_16 = tpu.memref_slice %arg6[%mul3A_10] : memref<10240xf32, #tpu.memory_space<vmem_shared>> -> memref<640xf32, #tpu.memory_space<vmem_shared>>
      tpu.wait_dma2 semaphore(%run_scoped3A : memref<!tpu.dma_semaphore, #tpu.memory_space<semaphore_mem>>) src(%dma_wait3A_16 : memref<640xf32, #tpu.memory_space<vmem_shared>>) dst(%dma_wait3A_15 : memref<640xf32, #tpu.memory_space<hbm>>)
      tpu.yield
    }) : () -> ()
    return
  }
}

#map = affine_map<(d0, d1) -> (0, 0)>
#map1 = affine_map<(d0, d1) -> (0, 0, 0)>
module attributes {stable_mosaic.version = 14 : i64} {
  func.func @agg(%arg0: i32, %arg1: i32, %arg2: memref<10240x128xf32, #tpu.memory_space<hbm>>, %arg3: memref<32x80x128xi32, #tpu.memory_space<hbm>>, %arg4: memref<32x80x128xi32, #tpu.memory_space<hbm>>, %arg5: memref<640x128xf32, #tpu.memory_space<hbm>>, %arg6: memref<2x10240x128xf32, #tpu.memory_space<hbm>>, %arg7: memref<10240x128xf32, #tpu.memory_space<vmem_shared>>, %arg8: memref<80x128xi32, #tpu.memory_space<vmem>>, %arg9: memref<80x128xi32, #tpu.memory_space<vmem>>, %arg10: memref<128x128xf32, #tpu.memory_space<vmem>>) attributes {dimension_semantics = [#tpu.dimension_semantics<core_parallel>, #tpu.dimension_semantics<subcore_parallel>], iteration_bounds = array<i64: 2, 16>, scalar_prefetch = 0 : i64, scratch_operands = 4 : i64, tpu.core_type = #tpu.core_type<sc_vector_subcore>, window_params = [{transform_indices = #map}, {transform_indices = #map1}, {transform_indices = #map1}, {transform_indices = #map}, {transform_indices = #map1}]} {
    %mul3A = arith.constant 2 : i32
    %mul3A_0 = arith.muli %arg1, %mul3A : i32
    %add3A = arith.addi %mul3A_0, %arg0 : i32
    "tpu.region"() ({
      %run_scoped3A = tpu.sem_alloc : memref<!tpu.dma_semaphore, #tpu.memory_space<semaphore_mem>>
      %dma_start3A = arith.constant 0 : i32
      %dma_start3A_13 = arith.constant 0 : i32
      %dma_start3A_14 = tpu.memref_slice %arg3[%add3A, %dma_start3A, %dma_start3A_13] : memref<32x80x128xi32, #tpu.memory_space<hbm>> -> memref<1x80x128xi32, #tpu.memory_space<hbm>>
      %dma_start3A_15 = tpu.memref_squeeze %dma_start3A_14 : memref<1x80x128xi32, #tpu.memory_space<hbm>> -> memref<80x128xi32, #tpu.memory_space<hbm>>
      %dma_start3A_16 = arith.constant 0 : i32
      %dma_start3A_17 = arith.constant 0 : i32
      %dma_start3A_18 = tpu.memref_slice %arg3[%add3A, %dma_start3A_16, %dma_start3A_17] : memref<32x80x128xi32, #tpu.memory_space<hbm>> -> memref<1x80x128xi32, #tpu.memory_space<hbm>>
      %dma_start3A_19 = tpu.memref_squeeze %dma_start3A_18 : memref<1x80x128xi32, #tpu.memory_space<hbm>> -> memref<80x128xi32, #tpu.memory_space<hbm>>
      tpu.enqueue_dma source(%dma_start3A_19 : memref<80x128xi32, #tpu.memory_space<hbm>>) target(%arg8 : memref<80x128xi32, #tpu.memory_space<vmem>>) target_semaphore(%run_scoped3A : memref<!tpu.dma_semaphore, #tpu.memory_space<semaphore_mem>>)
      %dma_wait3A = arith.constant 0 : i32
      %dma_wait3A_20 = arith.constant 0 : i32
      %dma_wait3A_21 = tpu.memref_slice %arg3[%add3A, %dma_wait3A, %dma_wait3A_20] : memref<32x80x128xi32, #tpu.memory_space<hbm>> -> memref<1x80x128xi32, #tpu.memory_space<hbm>>
      %dma_wait3A_22 = tpu.memref_squeeze %dma_wait3A_21 : memref<1x80x128xi32, #tpu.memory_space<hbm>> -> memref<80x128xi32, #tpu.memory_space<hbm>>
      %dma_wait3A_23 = arith.constant 0 : i32
      %dma_wait3A_24 = arith.constant 0 : i32
      %dma_wait3A_25 = tpu.memref_slice %arg3[%add3A, %dma_wait3A_23, %dma_wait3A_24] : memref<32x80x128xi32, #tpu.memory_space<hbm>> -> memref<1x80x128xi32, #tpu.memory_space<hbm>>
      %dma_wait3A_26 = tpu.memref_squeeze %dma_wait3A_25 : memref<1x80x128xi32, #tpu.memory_space<hbm>> -> memref<80x128xi32, #tpu.memory_space<hbm>>
      tpu.wait_dma2 semaphore(%run_scoped3A : memref<!tpu.dma_semaphore, #tpu.memory_space<semaphore_mem>>) src(%dma_wait3A_26 : memref<80x128xi32, #tpu.memory_space<hbm>>) dst(%arg8 : memref<80x128xi32, #tpu.memory_space<vmem>>)
      tpu.yield
    }) : () -> ()
    "tpu.region"() ({
      %run_scoped3A = tpu.sem_alloc : memref<!tpu.dma_semaphore, #tpu.memory_space<semaphore_mem>>
      %dma_start3A = arith.constant 0 : i32
      %dma_start3A_13 = arith.constant 0 : i32
      %dma_start3A_14 = tpu.memref_slice %arg4[%add3A, %dma_start3A, %dma_start3A_13] : memref<32x80x128xi32, #tpu.memory_space<hbm>> -> memref<1x80x128xi32, #tpu.memory_space<hbm>>
      %dma_start3A_15 = tpu.memref_squeeze %dma_start3A_14 : memref<1x80x128xi32, #tpu.memory_space<hbm>> -> memref<80x128xi32, #tpu.memory_space<hbm>>
      %dma_start3A_16 = arith.constant 0 : i32
      %dma_start3A_17 = arith.constant 0 : i32
      %dma_start3A_18 = tpu.memref_slice %arg4[%add3A, %dma_start3A_16, %dma_start3A_17] : memref<32x80x128xi32, #tpu.memory_space<hbm>> -> memref<1x80x128xi32, #tpu.memory_space<hbm>>
      %dma_start3A_19 = tpu.memref_squeeze %dma_start3A_18 : memref<1x80x128xi32, #tpu.memory_space<hbm>> -> memref<80x128xi32, #tpu.memory_space<hbm>>
      tpu.enqueue_dma source(%dma_start3A_19 : memref<80x128xi32, #tpu.memory_space<hbm>>) target(%arg9 : memref<80x128xi32, #tpu.memory_space<vmem>>) target_semaphore(%run_scoped3A : memref<!tpu.dma_semaphore, #tpu.memory_space<semaphore_mem>>)
      %dma_wait3A = arith.constant 0 : i32
      %dma_wait3A_20 = arith.constant 0 : i32
      %dma_wait3A_21 = tpu.memref_slice %arg4[%add3A, %dma_wait3A, %dma_wait3A_20] : memref<32x80x128xi32, #tpu.memory_space<hbm>> -> memref<1x80x128xi32, #tpu.memory_space<hbm>>
      %dma_wait3A_22 = tpu.memref_squeeze %dma_wait3A_21 : memref<1x80x128xi32, #tpu.memory_space<hbm>> -> memref<80x128xi32, #tpu.memory_space<hbm>>
      %dma_wait3A_23 = arith.constant 0 : i32
      %dma_wait3A_24 = arith.constant 0 : i32
      %dma_wait3A_25 = tpu.memref_slice %arg4[%add3A, %dma_wait3A_23, %dma_wait3A_24] : memref<32x80x128xi32, #tpu.memory_space<hbm>> -> memref<1x80x128xi32, #tpu.memory_space<hbm>>
      %dma_wait3A_26 = tpu.memref_squeeze %dma_wait3A_25 : memref<1x80x128xi32, #tpu.memory_space<hbm>> -> memref<80x128xi32, #tpu.memory_space<hbm>>
      tpu.wait_dma2 semaphore(%run_scoped3A : memref<!tpu.dma_semaphore, #tpu.memory_space<semaphore_mem>>) src(%dma_wait3A_26 : memref<80x128xi32, #tpu.memory_space<hbm>>) dst(%arg9 : memref<80x128xi32, #tpu.memory_space<vmem>>)
      tpu.yield
    }) : () -> ()
    %mul3A_1 = arith.constant 640 : i32
    %mul3A_2 = arith.muli %arg1, %mul3A_1 : i32
    "tpu.region"() ({
      %run_scoped3A = tpu.sem_alloc : memref<!tpu.dma_semaphore, #tpu.memory_space<semaphore_mem>>
      %dma_start3A = arith.constant 0 : i32
      %dma_start3A_13 = tpu.memref_slice %arg7[%mul3A_2, %dma_start3A] : memref<10240x128xf32, #tpu.memory_space<vmem_shared>> -> memref<640x128xf32, #tpu.memory_space<vmem_shared>>
      tpu.enqueue_dma source(%arg5 : memref<640x128xf32, #tpu.memory_space<hbm>>) target(%dma_start3A_13 : memref<640x128xf32, #tpu.memory_space<vmem_shared>>) target_semaphore(%run_scoped3A : memref<!tpu.dma_semaphore, #tpu.memory_space<semaphore_mem>>)
      %dma_wait3A = arith.constant 0 : i32
      %dma_wait3A_14 = tpu.memref_slice %arg7[%mul3A_2, %dma_wait3A] : memref<10240x128xf32, #tpu.memory_space<vmem_shared>> -> memref<640x128xf32, #tpu.memory_space<vmem_shared>>
      tpu.wait_dma2 semaphore(%run_scoped3A : memref<!tpu.dma_semaphore, #tpu.memory_space<semaphore_mem>>) src(%arg5 : memref<640x128xf32, #tpu.memory_space<hbm>>) dst(%dma_wait3A_14 : memref<640x128xf32, #tpu.memory_space<vmem_shared>>)
      tpu.yield
    }) : () -> ()
    %barrier3A = arith.constant 0 : index
    tpu.barrier barrier_id(%barrier3A)
    %scan3A = arith.constant 0 : i32
    %scan3A_3 = arith.constant 0 : i32
    %scan3A_4 = arith.constant 80 : i32
    %scan3A_5 = arith.addi %scan3A_3, %scan3A_4 : i32
    %scan3A_6 = arith.constant 1 : i32
    scf.for %scan3A_13 = %scan3A_3 to %scan3A_5 step %scan3A_6  : i32 {
      "tpu.region"() ({
        %run_scoped3A = tpu.sem_alloc : memref<!tpu.dma_semaphore, #tpu.memory_space<semaphore_mem>>
        %dma_start3A = arith.constant 0 : i32
        %dma_start3A_14 = tpu.memref_slice %arg8[%scan3A_13, %dma_start3A] : memref<80x128xi32, #tpu.memory_space<vmem>> -> memref<1x128xi32, #tpu.memory_space<vmem>>
        %dma_start3A_15 = tpu.memref_squeeze %dma_start3A_14 : memref<1x128xi32, #tpu.memory_space<vmem>> -> memref<128xi32, #tpu.memory_space<vmem>>
        %dma_start3A_16 = arith.constant 0 : i32
        %dma_start3A_17 = arith.constant 0 : i32
        %dma_start3A_18 = tpu.memref_slice %arg2[%dma_start3A_16, %dma_start3A_17] : memref<10240x128xf32, #tpu.memory_space<hbm>> -> memref<10240x128xf32, #tpu.memory_space<hbm>>
        tpu.enqueue_indirect_dma source(%dma_start3A_18 : memref<10240x128xf32, #tpu.memory_space<hbm>>) target(%arg10 : memref<128x128xf32, #tpu.memory_space<vmem>>) offsets(%dma_start3A_15 : memref<128xi32, #tpu.memory_space<vmem>>) semaphore(%run_scoped3A : memref<!tpu.dma_semaphore, #tpu.memory_space<semaphore_mem>>)
        %dma_wait3A = arith.constant 0 : i32
        %dma_wait3A_19 = tpu.memref_slice %arg8[%scan3A_13, %dma_wait3A] : memref<80x128xi32, #tpu.memory_space<vmem>> -> memref<1x128xi32, #tpu.memory_space<vmem>>
        %dma_wait3A_20 = tpu.memref_squeeze %dma_wait3A_19 : memref<1x128xi32, #tpu.memory_space<vmem>> -> memref<128xi32, #tpu.memory_space<vmem>>
        %dma_wait3A_21 = arith.constant 0 : i32
        %dma_wait3A_22 = arith.constant 0 : i32
        %dma_wait3A_23 = tpu.memref_slice %arg2[%dma_wait3A_21, %dma_wait3A_22] : memref<10240x128xf32, #tpu.memory_space<hbm>> -> memref<10240x128xf32, #tpu.memory_space<hbm>>
        tpu.wait_indirect_dma semaphore(%run_scoped3A : memref<!tpu.dma_semaphore, #tpu.memory_space<semaphore_mem>>) src(%dma_wait3A_23 : memref<10240x128xf32, #tpu.memory_space<hbm>>) dst(%arg10 : memref<128x128xf32, #tpu.memory_space<vmem>>)
        tpu.yield
      }) : () -> ()
      "tpu.region"() ({
        %run_scoped3A = tpu.sem_alloc : memref<!tpu.dma_semaphore, #tpu.memory_space<semaphore_mem>>
        %dma_start3A = arith.constant 0 : i32
        %dma_start3A_14 = tpu.memref_slice %arg9[%scan3A_13, %dma_start3A] : memref<80x128xi32, #tpu.memory_space<vmem>> -> memref<1x128xi32, #tpu.memory_space<vmem>>
        %dma_start3A_15 = tpu.memref_squeeze %dma_start3A_14 : memref<1x128xi32, #tpu.memory_space<vmem>> -> memref<128xi32, #tpu.memory_space<vmem>>
        %dma_start3A_16 = arith.constant 0 : i32
        %dma_start3A_17 = arith.constant 0 : i32
        %dma_start3A_18 = tpu.memref_slice %arg7[%dma_start3A_16, %dma_start3A_17] : memref<10240x128xf32, #tpu.memory_space<vmem_shared>> -> memref<10240x128xf32, #tpu.memory_space<vmem_shared>>
        tpu.enqueue_indirect_dma source(%arg10 : memref<128x128xf32, #tpu.memory_space<vmem>>) target(%dma_start3A_18 : memref<10240x128xf32, #tpu.memory_space<vmem_shared>>) offsets(%dma_start3A_15 : memref<128xi32, #tpu.memory_space<vmem>>) semaphore(%run_scoped3A : memref<!tpu.dma_semaphore, #tpu.memory_space<semaphore_mem>>) {add = true}
        %dma_wait3A = arith.constant 0 : i32
        %dma_wait3A_19 = tpu.memref_slice %arg9[%scan3A_13, %dma_wait3A] : memref<80x128xi32, #tpu.memory_space<vmem>> -> memref<1x128xi32, #tpu.memory_space<vmem>>
        %dma_wait3A_20 = tpu.memref_squeeze %dma_wait3A_19 : memref<1x128xi32, #tpu.memory_space<vmem>> -> memref<128xi32, #tpu.memory_space<vmem>>
        %dma_wait3A_21 = arith.constant 0 : i32
        %dma_wait3A_22 = arith.constant 0 : i32
        %dma_wait3A_23 = tpu.memref_slice %arg7[%dma_wait3A_21, %dma_wait3A_22] : memref<10240x128xf32, #tpu.memory_space<vmem_shared>> -> memref<10240x128xf32, #tpu.memory_space<vmem_shared>>
        tpu.wait_indirect_dma semaphore(%run_scoped3A : memref<!tpu.dma_semaphore, #tpu.memory_space<semaphore_mem>>) src(%arg10 : memref<128x128xf32, #tpu.memory_space<vmem>>) dst(%dma_wait3A_23 : memref<10240x128xf32, #tpu.memory_space<vmem_shared>>)
        tpu.yield
      }) : () -> ()
    }
    %scan3A_7 = arith.constant 80 : i32
    %barrier3A_8 = arith.constant 0 : index
    tpu.barrier barrier_id(%barrier3A_8)
    %mul3A_9 = arith.constant 640 : i32
    %mul3A_10 = arith.muli %arg1, %mul3A_9 : i32
    %mul3A_11 = arith.constant 640 : i32
    %mul3A_12 = arith.muli %arg1, %mul3A_11 : i32
    "tpu.region"() ({
      %run_scoped3A = tpu.sem_alloc : memref<!tpu.dma_semaphore, #tpu.memory_space<semaphore_mem>>
      %dma_start3A = arith.constant 0 : i32
      %dma_start3A_13 = tpu.memref_slice %arg6[%arg0, %mul3A_12, %dma_start3A] : memref<2x10240x128xf32, #tpu.memory_space<hbm>> -> memref<1x640x128xf32, #tpu.memory_space<hbm>>
      %dma_start3A_14 = tpu.memref_squeeze %dma_start3A_13 : memref<1x640x128xf32, #tpu.memory_space<hbm>> -> memref<640x128xf32, #tpu.memory_space<hbm>>
      %dma_start3A_15 = arith.constant 0 : i32
      %dma_start3A_16 = tpu.memref_slice %arg7[%mul3A_10, %dma_start3A_15] : memref<10240x128xf32, #tpu.memory_space<vmem_shared>> -> memref<640x128xf32, #tpu.memory_space<vmem_shared>>
      tpu.enqueue_dma source(%dma_start3A_16 : memref<640x128xf32, #tpu.memory_space<vmem_shared>>) target(%dma_start3A_14 : memref<640x128xf32, #tpu.memory_space<hbm>>) target_semaphore(%run_scoped3A : memref<!tpu.dma_semaphore, #tpu.memory_space<semaphore_mem>>)
      %dma_wait3A = arith.constant 0 : i32
      %dma_wait3A_17 = tpu.memref_slice %arg6[%arg0, %mul3A_12, %dma_wait3A] : memref<2x10240x128xf32, #tpu.memory_space<hbm>> -> memref<1x640x128xf32, #tpu.memory_space<hbm>>
      %dma_wait3A_18 = tpu.memref_squeeze %dma_wait3A_17 : memref<1x640x128xf32, #tpu.memory_space<hbm>> -> memref<640x128xf32, #tpu.memory_space<hbm>>
      %dma_wait3A_19 = arith.constant 0 : i32
      %dma_wait3A_20 = tpu.memref_slice %arg7[%mul3A_10, %dma_wait3A_19] : memref<10240x128xf32, #tpu.memory_space<vmem_shared>> -> memref<640x128xf32, #tpu.memory_space<vmem_shared>>
      tpu.wait_dma2 semaphore(%run_scoped3A : memref<!tpu.dma_semaphore, #tpu.memory_space<semaphore_mem>>) src(%dma_wait3A_20 : memref<640x128xf32, #tpu.memory_space<vmem_shared>>) dst(%dma_wait3A_18 : memref<640x128xf32, #tpu.memory_space<hbm>>)
      tpu.yield
    }) : () -> ()
    return
  }
}

#map = affine_map<(d0, d1) -> (0, 0)>
#map1 = affine_map<(d0, d1) -> (0, 0, 0)>
module attributes {stable_mosaic.version = 14 : i64} {
  func.func @agg(%arg0: i32, %arg1: i32, %arg2: memref<10240x128xf32, #tpu.memory_space<hbm>>, %arg3: memref<32x80x128xi32, #tpu.memory_space<hbm>>, %arg4: memref<32x80x128xi32, #tpu.memory_space<hbm>>, %arg5: memref<640x128xf32, #tpu.memory_space<hbm>>, %arg6: memref<2x10240x128xf32, #tpu.memory_space<hbm>>, %arg7: memref<10240x128xf32, #tpu.memory_space<vmem_shared>>, %arg8: memref<80x128xi32, #tpu.memory_space<vmem>>, %arg9: memref<80x128xi32, #tpu.memory_space<vmem>>, %arg10: memref<128x128xf32, #tpu.memory_space<vmem>>) attributes {dimension_semantics = [#tpu.dimension_semantics<core_parallel>, #tpu.dimension_semantics<subcore_parallel>], iteration_bounds = array<i64: 2, 16>, scalar_prefetch = 0 : i64, scratch_operands = 4 : i64, tpu.core_type = #tpu.core_type<sc_vector_subcore>, window_params = [{transform_indices = #map}, {transform_indices = #map1}, {transform_indices = #map1}, {transform_indices = #map}, {transform_indices = #map1}]} {
    %mul3A = arith.constant 2 : i32
    %mul3A_0 = arith.muli %arg1, %mul3A : i32
    %add3A = arith.addi %mul3A_0, %arg0 : i32
    "tpu.region"() ({
      %run_scoped3A = tpu.sem_alloc : memref<!tpu.dma_semaphore, #tpu.memory_space<semaphore_mem>>
      %dma_start3A = arith.constant 0 : i32
      %dma_start3A_13 = arith.constant 0 : i32
      %dma_start3A_14 = tpu.memref_slice %arg3[%add3A, %dma_start3A, %dma_start3A_13] : memref<32x80x128xi32, #tpu.memory_space<hbm>> -> memref<1x80x128xi32, #tpu.memory_space<hbm>>
      %dma_start3A_15 = tpu.memref_squeeze %dma_start3A_14 : memref<1x80x128xi32, #tpu.memory_space<hbm>> -> memref<80x128xi32, #tpu.memory_space<hbm>>
      %dma_start3A_16 = arith.constant 0 : i32
      %dma_start3A_17 = arith.constant 0 : i32
      %dma_start3A_18 = tpu.memref_slice %arg3[%add3A, %dma_start3A_16, %dma_start3A_17] : memref<32x80x128xi32, #tpu.memory_space<hbm>> -> memref<1x80x128xi32, #tpu.memory_space<hbm>>
      %dma_start3A_19 = tpu.memref_squeeze %dma_start3A_18 : memref<1x80x128xi32, #tpu.memory_space<hbm>> -> memref<80x128xi32, #tpu.memory_space<hbm>>
      tpu.enqueue_dma source(%dma_start3A_19 : memref<80x128xi32, #tpu.memory_space<hbm>>) target(%arg8 : memref<80x128xi32, #tpu.memory_space<vmem>>) target_semaphore(%run_scoped3A : memref<!tpu.dma_semaphore, #tpu.memory_space<semaphore_mem>>)
      %dma_wait3A = arith.constant 0 : i32
      %dma_wait3A_20 = arith.constant 0 : i32
      %dma_wait3A_21 = tpu.memref_slice %arg3[%add3A, %dma_wait3A, %dma_wait3A_20] : memref<32x80x128xi32, #tpu.memory_space<hbm>> -> memref<1x80x128xi32, #tpu.memory_space<hbm>>
      %dma_wait3A_22 = tpu.memref_squeeze %dma_wait3A_21 : memref<1x80x128xi32, #tpu.memory_space<hbm>> -> memref<80x128xi32, #tpu.memory_space<hbm>>
      %dma_wait3A_23 = arith.constant 0 : i32
      %dma_wait3A_24 = arith.constant 0 : i32
      %dma_wait3A_25 = tpu.memref_slice %arg3[%add3A, %dma_wait3A_23, %dma_wait3A_24] : memref<32x80x128xi32, #tpu.memory_space<hbm>> -> memref<1x80x128xi32, #tpu.memory_space<hbm>>
      %dma_wait3A_26 = tpu.memref_squeeze %dma_wait3A_25 : memref<1x80x128xi32, #tpu.memory_space<hbm>> -> memref<80x128xi32, #tpu.memory_space<hbm>>
      tpu.wait_dma2 semaphore(%run_scoped3A : memref<!tpu.dma_semaphore, #tpu.memory_space<semaphore_mem>>) src(%dma_wait3A_26 : memref<80x128xi32, #tpu.memory_space<hbm>>) dst(%arg8 : memref<80x128xi32, #tpu.memory_space<vmem>>)
      tpu.yield
    }) : () -> ()
    "tpu.region"() ({
      %run_scoped3A = tpu.sem_alloc : memref<!tpu.dma_semaphore, #tpu.memory_space<semaphore_mem>>
      %dma_start3A = arith.constant 0 : i32
      %dma_start3A_13 = arith.constant 0 : i32
      %dma_start3A_14 = tpu.memref_slice %arg4[%add3A, %dma_start3A, %dma_start3A_13] : memref<32x80x128xi32, #tpu.memory_space<hbm>> -> memref<1x80x128xi32, #tpu.memory_space<hbm>>
      %dma_start3A_15 = tpu.memref_squeeze %dma_start3A_14 : memref<1x80x128xi32, #tpu.memory_space<hbm>> -> memref<80x128xi32, #tpu.memory_space<hbm>>
      %dma_start3A_16 = arith.constant 0 : i32
      %dma_start3A_17 = arith.constant 0 : i32
      %dma_start3A_18 = tpu.memref_slice %arg4[%add3A, %dma_start3A_16, %dma_start3A_17] : memref<32x80x128xi32, #tpu.memory_space<hbm>> -> memref<1x80x128xi32, #tpu.memory_space<hbm>>
      %dma_start3A_19 = tpu.memref_squeeze %dma_start3A_18 : memref<1x80x128xi32, #tpu.memory_space<hbm>> -> memref<80x128xi32, #tpu.memory_space<hbm>>
      tpu.enqueue_dma source(%dma_start3A_19 : memref<80x128xi32, #tpu.memory_space<hbm>>) target(%arg9 : memref<80x128xi32, #tpu.memory_space<vmem>>) target_semaphore(%run_scoped3A : memref<!tpu.dma_semaphore, #tpu.memory_space<semaphore_mem>>)
      %dma_wait3A = arith.constant 0 : i32
      %dma_wait3A_20 = arith.constant 0 : i32
      %dma_wait3A_21 = tpu.memref_slice %arg4[%add3A, %dma_wait3A, %dma_wait3A_20] : memref<32x80x128xi32, #tpu.memory_space<hbm>> -> memref<1x80x128xi32, #tpu.memory_space<hbm>>
      %dma_wait3A_22 = tpu.memref_squeeze %dma_wait3A_21 : memref<1x80x128xi32, #tpu.memory_space<hbm>> -> memref<80x128xi32, #tpu.memory_space<hbm>>
      %dma_wait3A_23 = arith.constant 0 : i32
      %dma_wait3A_24 = arith.constant 0 : i32
      %dma_wait3A_25 = tpu.memref_slice %arg4[%add3A, %dma_wait3A_23, %dma_wait3A_24] : memref<32x80x128xi32, #tpu.memory_space<hbm>> -> memref<1x80x128xi32, #tpu.memory_space<hbm>>
      %dma_wait3A_26 = tpu.memref_squeeze %dma_wait3A_25 : memref<1x80x128xi32, #tpu.memory_space<hbm>> -> memref<80x128xi32, #tpu.memory_space<hbm>>
      tpu.wait_dma2 semaphore(%run_scoped3A : memref<!tpu.dma_semaphore, #tpu.memory_space<semaphore_mem>>) src(%dma_wait3A_26 : memref<80x128xi32, #tpu.memory_space<hbm>>) dst(%arg9 : memref<80x128xi32, #tpu.memory_space<vmem>>)
      tpu.yield
    }) : () -> ()
    %mul3A_1 = arith.constant 640 : i32
    %mul3A_2 = arith.muli %arg1, %mul3A_1 : i32
    "tpu.region"() ({
      %run_scoped3A = tpu.sem_alloc : memref<!tpu.dma_semaphore, #tpu.memory_space<semaphore_mem>>
      %dma_start3A = arith.constant 0 : i32
      %dma_start3A_13 = tpu.memref_slice %arg7[%mul3A_2, %dma_start3A] : memref<10240x128xf32, #tpu.memory_space<vmem_shared>> -> memref<640x128xf32, #tpu.memory_space<vmem_shared>>
      tpu.enqueue_dma source(%arg5 : memref<640x128xf32, #tpu.memory_space<hbm>>) target(%dma_start3A_13 : memref<640x128xf32, #tpu.memory_space<vmem_shared>>) target_semaphore(%run_scoped3A : memref<!tpu.dma_semaphore, #tpu.memory_space<semaphore_mem>>)
      %dma_wait3A = arith.constant 0 : i32
      %dma_wait3A_14 = tpu.memref_slice %arg7[%mul3A_2, %dma_wait3A] : memref<10240x128xf32, #tpu.memory_space<vmem_shared>> -> memref<640x128xf32, #tpu.memory_space<vmem_shared>>
      tpu.wait_dma2 semaphore(%run_scoped3A : memref<!tpu.dma_semaphore, #tpu.memory_space<semaphore_mem>>) src(%arg5 : memref<640x128xf32, #tpu.memory_space<hbm>>) dst(%dma_wait3A_14 : memref<640x128xf32, #tpu.memory_space<vmem_shared>>)
      tpu.yield
    }) : () -> ()
    %barrier3A = arith.constant 0 : index
    tpu.barrier barrier_id(%barrier3A)
    %scan3A = arith.constant 0 : i32
    %scan3A_3 = arith.constant 0 : i32
    %scan3A_4 = arith.constant 80 : i32
    %scan3A_5 = arith.addi %scan3A_3, %scan3A_4 : i32
    %scan3A_6 = arith.constant 1 : i32
    scf.for %scan3A_13 = %scan3A_3 to %scan3A_5 step %scan3A_6  : i32 {
      "tpu.region"() ({
        %run_scoped3A = tpu.sem_alloc : memref<!tpu.dma_semaphore, #tpu.memory_space<semaphore_mem>>
        %dma_start3A = arith.constant 0 : i32
        %dma_start3A_14 = tpu.memref_slice %arg8[%scan3A_13, %dma_start3A] : memref<80x128xi32, #tpu.memory_space<vmem>> -> memref<1x128xi32, #tpu.memory_space<vmem>>
        %dma_start3A_15 = tpu.memref_squeeze %dma_start3A_14 : memref<1x128xi32, #tpu.memory_space<vmem>> -> memref<128xi32, #tpu.memory_space<vmem>>
        %dma_start3A_16 = arith.constant 0 : i32
        %dma_start3A_17 = arith.constant 0 : i32
        %dma_start3A_18 = tpu.memref_slice %arg2[%dma_start3A_16, %dma_start3A_17] : memref<10240x128xf32, #tpu.memory_space<hbm>> -> memref<10240x128xf32, #tpu.memory_space<hbm>>
        tpu.enqueue_indirect_dma source(%dma_start3A_18 : memref<10240x128xf32, #tpu.memory_space<hbm>>) target(%arg10 : memref<128x128xf32, #tpu.memory_space<vmem>>) offsets(%dma_start3A_15 : memref<128xi32, #tpu.memory_space<vmem>>) semaphore(%run_scoped3A : memref<!tpu.dma_semaphore, #tpu.memory_space<semaphore_mem>>)
        %dma_wait3A = arith.constant 0 : i32
        %dma_wait3A_19 = tpu.memref_slice %arg8[%scan3A_13, %dma_wait3A] : memref<80x128xi32, #tpu.memory_space<vmem>> -> memref<1x128xi32, #tpu.memory_space<vmem>>
        %dma_wait3A_20 = tpu.memref_squeeze %dma_wait3A_19 : memref<1x128xi32, #tpu.memory_space<vmem>> -> memref<128xi32, #tpu.memory_space<vmem>>
        %dma_wait3A_21 = arith.constant 0 : i32
        %dma_wait3A_22 = arith.constant 0 : i32
        %dma_wait3A_23 = tpu.memref_slice %arg2[%dma_wait3A_21, %dma_wait3A_22] : memref<10240x128xf32, #tpu.memory_space<hbm>> -> memref<10240x128xf32, #tpu.memory_space<hbm>>
        tpu.wait_indirect_dma semaphore(%run_scoped3A : memref<!tpu.dma_semaphore, #tpu.memory_space<semaphore_mem>>) src(%dma_wait3A_23 : memref<10240x128xf32, #tpu.memory_space<hbm>>) dst(%arg10 : memref<128x128xf32, #tpu.memory_space<vmem>>)
        tpu.yield
      }) : () -> ()
      "tpu.region"() ({
        %run_scoped3A = tpu.sem_alloc : memref<!tpu.dma_semaphore, #tpu.memory_space<semaphore_mem>>
        %dma_start3A = arith.constant 0 : i32
        %dma_start3A_14 = tpu.memref_slice %arg9[%scan3A_13, %dma_start3A] : memref<80x128xi32, #tpu.memory_space<vmem>> -> memref<1x128xi32, #tpu.memory_space<vmem>>
        %dma_start3A_15 = tpu.memref_squeeze %dma_start3A_14 : memref<1x128xi32, #tpu.memory_space<vmem>> -> memref<128xi32, #tpu.memory_space<vmem>>
        %dma_start3A_16 = arith.constant 0 : i32
        %dma_start3A_17 = arith.constant 0 : i32
        %dma_start3A_18 = tpu.memref_slice %arg7[%dma_start3A_16, %dma_start3A_17] : memref<10240x128xf32, #tpu.memory_space<vmem_shared>> -> memref<10240x128xf32, #tpu.memory_space<vmem_shared>>
        tpu.enqueue_indirect_dma source(%arg10 : memref<128x128xf32, #tpu.memory_space<vmem>>) target(%dma_start3A_18 : memref<10240x128xf32, #tpu.memory_space<vmem_shared>>) offsets(%dma_start3A_15 : memref<128xi32, #tpu.memory_space<vmem>>) semaphore(%run_scoped3A : memref<!tpu.dma_semaphore, #tpu.memory_space<semaphore_mem>>) {add = true}
        %dma_wait3A = arith.constant 0 : i32
        %dma_wait3A_19 = tpu.memref_slice %arg9[%scan3A_13, %dma_wait3A] : memref<80x128xi32, #tpu.memory_space<vmem>> -> memref<1x128xi32, #tpu.memory_space<vmem>>
        %dma_wait3A_20 = tpu.memref_squeeze %dma_wait3A_19 : memref<1x128xi32, #tpu.memory_space<vmem>> -> memref<128xi32, #tpu.memory_space<vmem>>
        %dma_wait3A_21 = arith.constant 0 : i32
        %dma_wait3A_22 = arith.constant 0 : i32
        %dma_wait3A_23 = tpu.memref_slice %arg7[%dma_wait3A_21, %dma_wait3A_22] : memref<10240x128xf32, #tpu.memory_space<vmem_shared>> -> memref<10240x128xf32, #tpu.memory_space<vmem_shared>>
        tpu.wait_indirect_dma semaphore(%run_scoped3A : memref<!tpu.dma_semaphore, #tpu.memory_space<semaphore_mem>>) src(%arg10 : memref<128x128xf32, #tpu.memory_space<vmem>>) dst(%dma_wait3A_23 : memref<10240x128xf32, #tpu.memory_space<vmem_shared>>)
        tpu.yield
      }) : () -> ()
    }
    %scan3A_7 = arith.constant 80 : i32
    %barrier3A_8 = arith.constant 0 : index
    tpu.barrier barrier_id(%barrier3A_8)
    %mul3A_9 = arith.constant 640 : i32
    %mul3A_10 = arith.muli %arg1, %mul3A_9 : i32
    %mul3A_11 = arith.constant 640 : i32
    %mul3A_12 = arith.muli %arg1, %mul3A_11 : i32
    "tpu.region"() ({
      %run_scoped3A = tpu.sem_alloc : memref<!tpu.dma_semaphore, #tpu.memory_space<semaphore_mem>>
      %dma_start3A = arith.constant 0 : i32
      %dma_start3A_13 = tpu.memref_slice %arg6[%arg0, %mul3A_12, %dma_start3A] : memref<2x10240x128xf32, #tpu.memory_space<hbm>> -> memref<1x640x128xf32, #tpu.memory_space<hbm>>
      %dma_start3A_14 = tpu.memref_squeeze %dma_start3A_13 : memref<1x640x128xf32, #tpu.memory_space<hbm>> -> memref<640x128xf32, #tpu.memory_space<hbm>>
      %dma_start3A_15 = arith.constant 0 : i32
      %dma_start3A_16 = tpu.memref_slice %arg7[%mul3A_10, %dma_start3A_15] : memref<10240x128xf32, #tpu.memory_space<vmem_shared>> -> memref<640x128xf32, #tpu.memory_space<vmem_shared>>
      tpu.enqueue_dma source(%dma_start3A_16 : memref<640x128xf32, #tpu.memory_space<vmem_shared>>) target(%dma_start3A_14 : memref<640x128xf32, #tpu.memory_space<hbm>>) target_semaphore(%run_scoped3A : memref<!tpu.dma_semaphore, #tpu.memory_space<semaphore_mem>>)
      %dma_wait3A = arith.constant 0 : i32
      %dma_wait3A_17 = tpu.memref_slice %arg6[%arg0, %mul3A_12, %dma_wait3A] : memref<2x10240x128xf32, #tpu.memory_space<hbm>> -> memref<1x640x128xf32, #tpu.memory_space<hbm>>
      %dma_wait3A_18 = tpu.memref_squeeze %dma_wait3A_17 : memref<1x640x128xf32, #tpu.memory_space<hbm>> -> memref<640x128xf32, #tpu.memory_space<hbm>>
      %dma_wait3A_19 = arith.constant 0 : i32
      %dma_wait3A_20 = tpu.memref_slice %arg7[%mul3A_10, %dma_wait3A_19] : memref<10240x128xf32, #tpu.memory_space<vmem_shared>> -> memref<640x128xf32, #tpu.memory_space<vmem_shared>>
      tpu.wait_dma2 semaphore(%run_scoped3A : memref<!tpu.dma_semaphore, #tpu.memory_space<semaphore_mem>>) src(%dma_wait3A_20 : memref<640x128xf32, #tpu.memory_space<vmem_shared>>) dst(%dma_wait3A_18 : memref<640x128xf32, #tpu.memory_space<hbm>>)
      tpu.yield
    }) : () -> ()
    return
  }
}

module attributes {stable_mosaic.version = 14 : i64} {
  func.func @_dinv_body(%arg0: memref<2x10240xf32, #tpu.memory_space<vmem>>, %arg1: memref<1x10240xf32, #tpu.memory_space<vmem>>) attributes {dimension_semantics = [], scalar_prefetch = 0 : i64, scratch_operands = 0 : i64, tpu.core_type = #tpu.core_type<tc>} {
    %get3A = arith.constant 0 : index
    %get3A_0 = arith.constant 0 : index
    %get3A_1 = vector.load %arg0[%get3A, %get3A_0] : memref<2x10240xf32, #tpu.memory_space<vmem>>, vector<1x10240xf32>
    %get3A_2 = arith.constant 1 : index
    %get3A_3 = arith.constant 0 : index
    %get3A_4 = vector.load %arg0[%get3A_2, %get3A_3] : memref<2x10240xf32, #tpu.memory_space<vmem>>, vector<1x10240xf32>
    %add3A = arith.addf %get3A_1, %get3A_4 : vector<1x10240xf32>
    %add3A_5 = arith.constant 1.000000e+00 : f32
    %add3A_6 = vector.broadcast %add3A_5 : f32 to vector<1x10240xf32>
    %add3A_7 = arith.addf %add3A, %add3A_6 : vector<1x10240xf32>
    %iota3A = tpu.iota {dimensions = array<i32: 1>} : vector<1x10240xi32>
    %lt3A = arith.constant 10000 : i32
    %lt3A_8 = vector.broadcast %lt3A : i32 to vector<1x10240xi32>
    %lt3A_9 = arith.cmpi slt, %iota3A, %lt3A_8 : vector<1x10240xi32>
    %gt3A = arith.constant 0.000000e+00 : f32
    %gt3A_10 = vector.broadcast %gt3A : f32 to vector<1x10240xf32>
    %gt3A_11 = arith.cmpf ogt, %add3A_7, %gt3A_10 : vector<1x10240xf32>
    %and3A = arith.andi %lt3A_9, %gt3A_11 : vector<1x10240xi1>
    %max3A = arith.constant 9.99999996E-13 : f32
    %max3A_12 = vector.broadcast %max3A : f32 to vector<1x10240xf32>
    %max3A_13 = arith.maximumf %add3A_7, %max3A_12 : vector<1x10240xf32>
    %rsqrt3A = math.rsqrt %max3A_13 : vector<1x10240xf32>
    %jit3A = arith.constant 0.000000e+00 : f32
    %broadcast_in_dim3A = vector.broadcast %jit3A : f32 to vector<1x10240xf32>
    %select_n3A = arith.select %and3A, %rsqrt3A, %broadcast_in_dim3A : vector<1x10240xi1>, vector<1x10240xf32>
    %swap3A = arith.constant 0 : index
    %swap3A_14 = arith.constant 0 : index
    %swap3A_15 = vector.load %arg1[%swap3A, %swap3A_14] : memref<1x10240xf32, #tpu.memory_space<vmem>>, vector<1x10240xf32>
    tpu.vector_store %arg1[%swap3A, %swap3A_14], %select_n3A {strides = array<i32>} : memref<1x10240xf32, #tpu.memory_space<vmem>>, vector<1x10240xf32>,
    return
  }
}

module attributes {stable_mosaic.version = 14 : i64} {
  func.func @_scale_mm_body(%arg0: memref<10240x128xf32, #tpu.memory_space<vmem>>, %arg1: memref<128x128xf32, #tpu.memory_space<vmem>>, %arg2: memref<10240x1xf32, #tpu.memory_space<vmem>>, %arg3: memref<10240x128xf32, #tpu.memory_space<vmem>>) attributes {dimension_semantics = [], scalar_prefetch = 0 : i64, scratch_operands = 0 : i64, tpu.core_type = #tpu.core_type<tc>} {
    %get3A = arith.constant 0 : index
    %get3A_0 = arith.constant 0 : index
    %get3A_1 = vector.load %arg0[%get3A, %get3A_0] : memref<10240x128xf32, #tpu.memory_space<vmem>>, vector<10240x128xf32>
    %get3A_2 = arith.constant 0 : index
    %get3A_3 = arith.constant 0 : index
    %get3A_4 = vector.load %arg1[%get3A_2, %get3A_3] : memref<128x128xf32, #tpu.memory_space<vmem>>, vector<128x128xf32>
    %dot_general3A = arith.constant dense<0.000000e+00> : vector<10240x128xf32>
    %dot_general3A_5 = tpu.matmul %get3A_1, %get3A_4, %dot_general3A {dimension_numbers = #tpu.dot_dimension_numbers<[1], [0], [0], [1], [0, 0, 1, 1], [], []>, transpose_lhs_hint = false} : vector<10240x128xf32>, vector<128x128xf32>, vector<10240x128xf32> -> vector<10240x128xf32>
    %get3A_6 = arith.constant 0 : index
    %get3A_7 = arith.constant 0 : index
    %get3A_8 = vector.load %arg2[%get3A_6, %get3A_7] : memref<10240x1xf32, #tpu.memory_space<vmem>>, vector<10240x1xf32>
    %mul3A = vector.broadcast %get3A_8 : vector<10240x1xf32> to vector<10240x128xf32>
    %mul3A_9 = arith.mulf %dot_general3A_5, %mul3A : vector<10240x128xf32>
    %swap3A = arith.constant 0 : index
    %swap3A_10 = arith.constant 0 : index
    %swap3A_11 = vector.load %arg3[%swap3A, %swap3A_10] : memref<10240x128xf32, #tpu.memory_space<vmem>>, vector<10240x128xf32>
    tpu.vector_store %arg3[%swap3A, %swap3A_10], %mul3A_9 {strides = array<i32>} : memref<10240x128xf32, #tpu.memory_space<vmem>>, vector<10240x128xf32>,
    return
  }
}

module attributes {stable_mosaic.version = 14 : i64} {
  func.func @_mid_body(%arg0: memref<2x10240x128xf32, #tpu.memory_space<vmem>>, %arg1: memref<10240x128xf32, #tpu.memory_space<vmem>>, %arg2: memref<10240x1xf32, #tpu.memory_space<vmem>>, %arg3: memref<1x128xf32, #tpu.memory_space<vmem>>, %arg4: memref<128x128xf32, #tpu.memory_space<vmem>>, %arg5: memref<10240x128xf32, #tpu.memory_space<vmem>>) attributes {dimension_semantics = [], scalar_prefetch = 0 : i64, scratch_operands = 0 : i64, tpu.core_type = #tpu.core_type<tc>} {
    %get3A = arith.constant 0 : index
    %get3A_0 = arith.constant 0 : index
    %get3A_1 = vector.load %arg2[%get3A, %get3A_0] : memref<10240x1xf32, #tpu.memory_space<vmem>>, vector<10240x1xf32>
    %get3A_2 = arith.constant 0 : index
    %get3A_3 = arith.constant 0 : index
    %get3A_4 = arith.constant 0 : index
    %get3A_5 = vector.load %arg0[%get3A_2, %get3A_3, %get3A_4] : memref<2x10240x128xf32, #tpu.memory_space<vmem>>, vector<1x10240x128xf32>
    %get3A_6 = vector.shape_cast %get3A_5 : vector<1x10240x128xf32> to vector<10240x128xf32>
    %get3A_7 = arith.constant 1 : index
    %get3A_8 = arith.constant 0 : index
    %get3A_9 = arith.constant 0 : index
    %get3A_10 = vector.load %arg0[%get3A_7, %get3A_8, %get3A_9] : memref<2x10240x128xf32, #tpu.memory_space<vmem>>, vector<1x10240x128xf32>
    %get3A_11 = vector.shape_cast %get3A_10 : vector<1x10240x128xf32> to vector<10240x128xf32>
    %add3A = arith.addf %get3A_6, %get3A_11 : vector<10240x128xf32>
    %get3A_12 = arith.constant 0 : index
    %get3A_13 = arith.constant 0 : index
    %get3A_14 = vector.load %arg1[%get3A_12, %get3A_13] : memref<10240x128xf32, #tpu.memory_space<vmem>>, vector<10240x128xf32>
    %add3A_15 = arith.addf %add3A, %get3A_14 : vector<10240x128xf32>
    %mul3A = vector.broadcast %get3A_1 : vector<10240x1xf32> to vector<10240x128xf32>
    %mul3A_16 = arith.mulf %mul3A, %add3A_15 : vector<10240x128xf32>
    %get3A_17 = arith.constant 0 : index
    %get3A_18 = arith.constant 0 : index
    %get3A_19 = vector.load %arg3[%get3A_17, %get3A_18] : memref<1x128xf32, #tpu.memory_space<vmem>>, vector<1x128xf32>
    %add3A_20 = vector.broadcast %get3A_19 : vector<1x128xf32> to vector<10240x128xf32>
    %add3A_21 = arith.addf %mul3A_16, %add3A_20 : vector<10240x128xf32>
    %max3A = arith.constant 0.000000e+00 : f32
    %max3A_22 = vector.broadcast %max3A : f32 to vector<10240x128xf32>
    %max3A_23 = arith.maximumf %add3A_21, %max3A_22 : vector<10240x128xf32>
    %get3A_24 = arith.constant 0 : index
    %get3A_25 = arith.constant 0 : index
    %get3A_26 = vector.load %arg4[%get3A_24, %get3A_25] : memref<128x128xf32, #tpu.memory_space<vmem>>, vector<128x128xf32>
    %dot_general3A = arith.constant dense<0.000000e+00> : vector<10240x128xf32>
    %dot_general3A_27 = tpu.matmul %max3A_23, %get3A_26, %dot_general3A {dimension_numbers = #tpu.dot_dimension_numbers<[1], [0], [0], [1], [0, 0, 1, 1], [], []>, transpose_lhs_hint = false} : vector<10240x128xf32>, vector<128x128xf32>, vector<10240x128xf32> -> vector<10240x128xf32>
    %get3A_28 = arith.constant 0 : index
    %get3A_29 = arith.constant 0 : index
    %get3A_30 = vector.load %arg2[%get3A_28, %get3A_29] : memref<10240x1xf32, #tpu.memory_space<vmem>>, vector<10240x1xf32>
    %mul3A_31 = vector.broadcast %get3A_30 : vector<10240x1xf32> to vector<10240x128xf32>
    %mul3A_32 = arith.mulf %dot_general3A_27, %mul3A_31 : vector<10240x128xf32>
    %swap3A = arith.constant 0 : index
    %swap3A_33 = arith.constant 0 : index
    %swap3A_34 = vector.load %arg5[%swap3A, %swap3A_33] : memref<10240x128xf32, #tpu.memory_space<vmem>>, vector<10240x128xf32>
    tpu.vector_store %arg5[%swap3A, %swap3A_33], %mul3A_32 {strides = array<i32>} : memref<10240x128xf32, #tpu.memory_space<vmem>>, vector<10240x128xf32>,
    return
  }
}

module attributes {stable_mosaic.version = 14 : i64} {
  func.func @_fin_body(%arg0: memref<2x10240x128xf32, #tpu.memory_space<vmem>>, %arg1: memref<10240x128xf32, #tpu.memory_space<vmem>>, %arg2: memref<10240x1xf32, #tpu.memory_space<vmem>>, %arg3: memref<1x128xf32, #tpu.memory_space<vmem>>, %arg4: memref<1x128xf32, #tpu.memory_space<vmem>>, %arg5: memref<1x1xf32, #tpu.memory_space<vmem>>, %arg6: memref<10240x1xf32, #tpu.memory_space<vmem>>) attributes {dimension_semantics = [], scalar_prefetch = 0 : i64, scratch_operands = 0 : i64, tpu.core_type = #tpu.core_type<tc>} {
    %get3A = arith.constant 0 : index
    %get3A_0 = arith.constant 0 : index
    %get3A_1 = vector.load %arg2[%get3A, %get3A_0] : memref<10240x1xf32, #tpu.memory_space<vmem>>, vector<10240x1xf32>
    %get3A_2 = arith.constant 0 : index
    %get3A_3 = arith.constant 0 : index
    %get3A_4 = arith.constant 0 : index
    %get3A_5 = vector.load %arg0[%get3A_2, %get3A_3, %get3A_4] : memref<2x10240x128xf32, #tpu.memory_space<vmem>>, vector<1x10240x128xf32>
    %get3A_6 = vector.shape_cast %get3A_5 : vector<1x10240x128xf32> to vector<10240x128xf32>
    %get3A_7 = arith.constant 1 : index
    %get3A_8 = arith.constant 0 : index
    %get3A_9 = arith.constant 0 : index
    %get3A_10 = vector.load %arg0[%get3A_7, %get3A_8, %get3A_9] : memref<2x10240x128xf32, #tpu.memory_space<vmem>>, vector<1x10240x128xf32>
    %get3A_11 = vector.shape_cast %get3A_10 : vector<1x10240x128xf32> to vector<10240x128xf32>
    %add3A = arith.addf %get3A_6, %get3A_11 : vector<10240x128xf32>
    %get3A_12 = arith.constant 0 : index
    %get3A_13 = arith.constant 0 : index
    %get3A_14 = vector.load %arg1[%get3A_12, %get3A_13] : memref<10240x128xf32, #tpu.memory_space<vmem>>, vector<10240x128xf32>
    %add3A_15 = arith.addf %add3A, %get3A_14 : vector<10240x128xf32>
    %mul3A = vector.broadcast %get3A_1 : vector<10240x1xf32> to vector<10240x128xf32>
    %mul3A_16 = arith.mulf %mul3A, %add3A_15 : vector<10240x128xf32>
    %get3A_17 = arith.constant 0 : index
    %get3A_18 = arith.constant 0 : index
    %get3A_19 = vector.load %arg3[%get3A_17, %get3A_18] : memref<1x128xf32, #tpu.memory_space<vmem>>, vector<1x128xf32>
    %add3A_20 = vector.broadcast %get3A_19 : vector<1x128xf32> to vector<10240x128xf32>
    %add3A_21 = arith.addf %mul3A_16, %add3A_20 : vector<10240x128xf32>
    %max3A = arith.constant 0.000000e+00 : f32
    %max3A_22 = vector.broadcast %max3A : f32 to vector<10240x128xf32>
    %max3A_23 = arith.maximumf %add3A_21, %max3A_22 : vector<10240x128xf32>
    %get3A_24 = arith.constant 0 : index
    %get3A_25 = arith.constant 0 : index
    %get3A_26 = vector.load %arg4[%get3A_24, %get3A_25] : memref<1x128xf32, #tpu.memory_space<vmem>>, vector<1x128xf32>
    %mul3A_27 = vector.broadcast %get3A_26 : vector<1x128xf32> to vector<10240x128xf32>
    %mul3A_28 = arith.mulf %max3A_23, %mul3A_27 : vector<10240x128xf32>
    %reduce_sum3A = arith.constant dense<0.000000e+00> : vector<10240xf32>
    %reduce_sum3A_29 = vector.multi_reduction <add>, %mul3A_28, %reduce_sum3A [1] : vector<10240x128xf32> to vector<10240xf32>
    %broadcast_in_dim3A = vector.shape_cast %reduce_sum3A_29 : vector<10240xf32> to vector<10240x1xf32>
    %get3A_30 = arith.constant 0 : index
    %get3A_31 = arith.constant 0 : index
    %get3A_32 = vector.load %arg5[%get3A_30, %get3A_31] : memref<1x1xf32, #tpu.memory_space<vmem>>, vector<1x1xf32>
    %get3A_33 = vector.extract %get3A_32[0, 0] : f32 from vector<1x1xf32>
    %add3A_34 = vector.broadcast %get3A_33 : f32 to vector<10240x1xf32>
    %add3A_35 = arith.addf %broadcast_in_dim3A, %add3A_34 : vector<10240x1xf32>
    %iota3A = tpu.iota {dimensions = array<i32: 0>} : vector<10240x1xi32>
    %lt3A = arith.constant 10000 : i32
    %lt3A_36 = vector.broadcast %lt3A : i32 to vector<10240x1xi32>
    %lt3A_37 = arith.cmpi slt, %iota3A, %lt3A_36 : vector<10240x1xi32>
    %jit3A = arith.constant 0xFF800000 : f32
    %broadcast_in_dim3A_38 = vector.broadcast %jit3A : f32 to vector<10240x1xf32>
    %select_n3A = arith.select %lt3A_37, %add3A_35, %broadcast_in_dim3A_38 : vector<10240x1xi1>, vector<10240x1xf32>
    %reduce_max3A = vector.shape_cast %select_n3A : vector<10240x1xf32> to vector<1x10240x1xf32>
    %reduce_max3A_39 = arith.constant dense<0xFF800000> : vector<1xf32>
    %reduce_max3A_40 = vector.multi_reduction <maximumf>, %reduce_max3A, %reduce_max3A_39 [1, 2] : vector<1x10240x1xf32> to vector<1xf32>
    %reduce_max3A_41 = vector.shape_cast %reduce_max3A_40 : vector<1xf32> to vector<1x1x1xf32>
    %reduce_max3A_42 = vector.extract %reduce_max3A_41[0, 0, 0] : f32 from vector<1x1x1xf32>
    %sub3A = vector.broadcast %reduce_max3A_42 : f32 to vector<10240x1xf32>
    %sub3A_43 = arith.subf %select_n3A, %sub3A : vector<10240x1xf32>
    %exp3A = math.exp %sub3A_43 : vector<10240x1xf32>
    %jit3A_44 = arith.constant 0.000000e+00 : f32
    %broadcast_in_dim3A_45 = vector.broadcast %jit3A_44 : f32 to vector<10240x1xf32>
    %select_n3A_46 = arith.select %lt3A_37, %exp3A, %broadcast_in_dim3A_45 : vector<10240x1xi1>, vector<10240x1xf32>
    %reduce_sum3A_47 = vector.shape_cast %select_n3A_46 : vector<10240x1xf32> to vector<1x10240x1xf32>
    %reduce_sum3A_48 = arith.constant dense<0.000000e+00> : vector<1xf32>
    %reduce_sum3A_49 = vector.multi_reduction <add>, %reduce_sum3A_47, %reduce_sum3A_48 [1, 2] : vector<1x10240x1xf32> to vector<1xf32>
    %reduce_sum3A_50 = vector.shape_cast %reduce_sum3A_49 : vector<1xf32> to vector<1x1x1xf32>
    %reduce_sum3A_51 = vector.extract %reduce_sum3A_50[0, 0, 0] : f32 from vector<1x1x1xf32>
    %div3A = vector.broadcast %reduce_sum3A_51 : f32 to vector<10240x1xf32>
    %div3A_52 = arith.divf %select_n3A_46, %div3A : vector<10240x1xf32>
    %swap3A = arith.constant 0 : index
    %swap3A_53 = arith.constant 0 : index
    %swap3A_54 = vector.load %arg6[%swap3A, %swap3A_53] : memref<10240x1xf32, #tpu.memory_space<vmem>>, vector<10240x1xf32>
    tpu.vector_store %arg6[%swap3A, %swap3A_53], %div3A_52 {strides = array<i32>} : memref<10240x1xf32, #tpu.memory_space<vmem>>, vector<10240x1xf32>,
    return
  }
}

</mosaic_0001>

<sc_bundles>
// kernel: kernel.12.cloned.1.call-start
scs
__scs_entry_jumppad:
0x0: {  	(pc) =	sbr.rel $0x88, $3  }
0x1: {  	(tag) =	ssettag $0x0;
	lr =	simm.s32 $0x1  }
0x2: {  	[smem:$0x3F99] =	sst lr;
	_ =	strace $0xD0000000  }
0x3: {  	_ = 	snop  }
0x4: {  	_ = 	snop  }
0x5: {  	_ = 	snop  }
0x6: {  	_ = 	snop  }
0x7: {  	_ = 	snop  }
__scs_overlays_trampoline_lowered:
0x8: {  	[smem:$0x3FA8] =	sst s0  }
0x9: {  	[smem:$0x3FA9] =	sst s1  }
0xa: {  	[smem:$0x3FAA] =	sst s2  }
0xb: {  	[smem:$0x3FAB] =	sst s3  }
0xc: {  	[smem:$0x3FAC] =	sst s4  }
0xd: {  	[smem:$0x3FAD] =	sst s5  }
0xe: {  	[smem:$0x3FAE] =	sst s6  }
0xf: {  	[smem:$0x3FAF] =	sst s7  }
0x10: {  	[smem:$0x3FB0] =	sst s8  }
0x11: {  	[smem:$0x3FB1] =	sst s9;
	s0 =	simm.s32 @!p0 $0x0  }
0x12: {  	s1 =	sld [smem:$0x3F97];
	s0 =	simm.s32 @p0 $0x1  }
0x13: {  	[smem:$0x3FB2] =	sst s0;
	s0 =	simm.s32 @!p1 $0x0  }
0x14: {  	s2 =	sld [smem:$0x3F96];
	s0 =	simm.s32 @p1 $0x1  }
0x15: {  	[smem:$0x3FB3] =	sst s0;
	s0 =	simm.s32 @!p2 $0x0  }
0x16: {  	s3 =	sld [smem:$0x3FDB];
	s0 =	simm.s32 @p2 $0x1  }
0x17: {  	s4 =	simm.s32 $0x1BF5;
	[smem:$0x3FB5] =	sst s0  }
0x18: {  	s0 =	sld [smem:$0x3F98];
	_ =	swait.ge [sflag:s4], $0x0  }
0x19: {  	s7 =	sld [smem:$0x3F99]  }
0x1a: {  	s8 =	sadd.s32 $0xFFFFE003, lr  }
0x1b: {  	s9 =	sadd.s32 $0xFFFFFEF7, lr;
	s5 =	simm.s32 $0xFFFFFFFF;
	p2 =	slt.u32 s8, $0xFFFFF086  }
0x1c: {  	p1 =	slt.u32 s9, $0xF7A;
	s5 =	simm.s32 @!p2 $0x0  }
0x1d: {  	s5 =	simm.s32 @p1 $0x1;
	p0 =	seq.s32 s7, s2  }
0x1e: {  	s7 =	smul.u32 @!p0 $0xF7A, s2;
	p2 =	seq.s32 @!p0 s5, $0x0  }
0x1f: {  	s9 =	smul.u32 $0xF7A, s1;
	s8 =	simm.s32 @!p0 $0x1BF5;
	p2 =	por !p2, p0  }
0x20: {  	[sflag:s8] =	ssyncset.s32 @!p0 $0xFFFFF086;
	s6 =	sadd.s32 @!p0 s3, s7;
	s7 =	simm.s32 @!p0 $0x108  }
0x21: {  	s3 =	sadd.s32 s3, s9;
	s6 =	sadd.s32 @!p0 $0x88, s6;
	s7 =	simm.s32 @p2 $0x1082  }
0x22: {  	[simem:s7], [sflag:s8] =	dma.local @!p0 [hbm:s6], $0xF7A  }
0x23: {  	s9 =	sor.u32 $0xD0000000, s2;
	s6 =	simm.s32 $0x108;
	_ =	swait.ge @!p0 [sflag:s8], $0x0  }
0x24: {  	s3 =	sadd.s32 $0x88, s3;
	s6 =	simm.s32 @!p1 $0x1082;
	[sflag:s4] =	ssyncset.s32 $0xFFFFF086  }
0x25: {  	[simem:s6], [sflag:s4] =	dma.local [hbm:s3], $0xF7A  }
0x26: {  	[smem:$0x3F99] =	sst s1;
	(tag) =	ssettag s2;
	_ =	strace s9  }
0x27: {  	s1 =	sld [smem:$0x3FA9]  }
0x28: {  	s2 =	sld [smem:$0x3FAA]  }
0x29: {  	s4 =	sld [smem:$0x3FAC]  }
0x2a: {  	p0 =	seq.s32 s5, $0x0;
	s5 =	sld [smem:$0x3FAD]  }
0x2b: {  	s6 =	sld [smem:$0x3FAE]  }
0x2c: {  	s7 =	sld [smem:$0x3FAF]  }
0x2d: {  	s3 =	simm.s32 $0x108;
	s8 =	sld [smem:$0x3FB0]  }
0x2e: {  	s3 =	simm.s32 @!p0 $0x1082;
	s9 =	sld [smem:$0x3FB1]  }
0x2f: {  	lr =	sadd.s32 s0, s3;
	s0 =	sld [smem:$0x3FA8]  }
0x30: {  	s3 =	sld [smem:$0x3FAB]  }
0x31: {  	[smem:$0x3FB4] =	sst s10  }
0x32: {  	s10 =	sld [smem:$0x3FB2];
	_ =	sdelay $0x3  }
0x33: {  	p0 =	seq.s32 s10, $0x1;
	s10 =	sld [smem:$0x3FB4];
	_ =	sdelay $0x3  }
0x34: {  	[smem:$0x3FB4] =	sst s10  }
0x35: {  	s10 =	sld [smem:$0x3FB3];
	_ =	sdelay $0x3  }
0x36: {  	p1 =	seq.s32 s10, $0x1;
	s10 =	sld [smem:$0x3FB4];
	_ =	sdelay $0x3  }
0x37: {  	[smem:$0x3FB4] =	sst s10  }
0x38: {  	s10 =	sld [smem:$0x3FB5]  }
0x39: {  	_ = 	snop;
	(pc) =	sbr.ind lr, $3  }
0x3a: {  	_ = 	snop  }
0x3b: {  	_ = 	snop  }
0x3c: {  	p2 =	seq.s32 s10, $0x1;
	s10 =	sld [smem:$0x3FB4]  }
0x3d: {  	_ =	shalt  }
0x3e: {  	_ =	shalt  }
0x3f: {  	_ =	shalt  }
0x40: {  	_ =	shalt  }
0x41: {  	_ =	shalt  }
0x42: {  	_ =	shalt  }
0x43: {  	_ =	shalt  }
0x44: {  	_ =	shalt  }
0x45: {  	_ =	shalt  }
0x46: {  	_ =	shalt  }
0x47: {  	_ =	shalt  }
0x48: {  	_ =	shalt  }
0x49: {  	_ =	shalt  }
0x4a: {  	_ =	shalt  }
0x4b: {  	_ =	shalt  }
0x4c: {  	_ =	shalt  }
0x4d: {  	_ =	shalt  }
0x4e: {  	_ =	shalt  }
0x4f: {  	_ =	shalt  }
0x50: {  	_ =	shalt  }
0x51: {  	_ =	shalt  }
0x52: {  	_ =	shalt  }
0x53: {  	_ =	shalt  }
0x54: {  	_ =	shalt  }
0x55: {  	_ =	shalt  }
0x56: {  	_ =	shalt  }
0x57: {  	_ =	shalt  }
0x58: {  	_ =	shalt  }
0x59: {  	_ =	shalt  }
0x5a: {  	_ =	shalt  }
0x5b: {  	_ =	shalt  }
0x5c: {  	_ =	shalt  }
0x5d: {  	_ =	shalt  }
0x5e: {  	_ =	shalt  }
0x5f: {  	_ =	shalt  }
0x60: {  	_ =	shalt  }
0x61: {  	_ =	shalt  }
0x62: {  	_ =	shalt  }
0x63: {  	_ =	shalt  }
0x64: {  	_ =	shalt  }
0x65: {  	_ =	shalt  }
0x66: {  	_ =	shalt  }
0x67: {  	_ =	shalt  }
0x68: {  	_ =	shalt  }
0x69: {  	_ =	shalt  }
0x6a: {  	_ =	shalt  }
0x6b: {  	_ =	shalt  }
0x6c: {  	_ =	shalt  }
0x6d: {  	_ =	shalt  }
0x6e: {  	_ =	shalt  }
0x6f: {  	_ =	shalt  }
0x70: {  	_ =	shalt  }
0x71: {  	_ =	shalt  }
0x72: {  	_ =	shalt  }
0x73: {  	_ =	shalt  }
0x74: {  	_ =	shalt  }
0x75: {  	_ =	shalt  }
0x76: {  	_ =	shalt  }
0x77: {  	_ =	shalt  }
0x78: {  	_ =	shalt  }
0x79: {  	_ =	shalt  }
0x7a: {  	_ =	shalt  }
0x7b: {  	_ =	shalt  }
0x7c: {  	_ =	shalt  }
0x7d: {  	_ =	shalt  }
0x7e: {  	_ =	shalt  }
0x7f: {  	_ =	shalt  }
0x80: {  	_ =	shalt  }
0x81: {  	_ =	shalt  }
0x82: {  	_ =	shalt  }
0x83: {  	_ =	shalt  }
0x84: {  	_ =	shalt  }
0x85: {  	_ =	shalt  }
0x86: {  	_ =	shalt  }
0x87: {  	_ =	shalt  }
.Lfunc_end0:
.L_simem_size_0:
called_computation.1_lowered:
.L_overlay_start_0:
0x88: {  	s2 =	sld [smem:$0x3FD9]  }
0x89: {  	s3 =	sld [smem:$0x3FFE];
	_ =	sdelay $0x1  }
0x8a: {  	s1 =	srdreg.scid  }
0x8b: {  	s0 =	sand.u32 $0x1, s1  }
0x8c: {  	s16 =	sshll.u32 s0, $0xA;
	s2 =	sadd.s32 s3, s2  }
0x8d: {  	s2 =	sadd.s32 s2, s16  }
0x8e: {  	[smem:$0x3FC0] =	sst s2  }
0x8f: {  	_ = 	snop  }
0x90: {  	(tm) =	ssettm $0x1  }
0x91: {  	s17 =	sld [smem:$0x3FFB];
	_ =	sdelay $0x3  }
0x92: {  	_ =	strace s17  }
0x93: {  	s2 =	sld [smem:$0x3FFC];
	_ =	sdelay $0x3  }
0x94: {  	_ =	strace s2  }
0x95: {  	s2 =	sld [smem:$0x3FFD];
	_ =	sdelay $0x3  }
0x96: {  	_ =	strace s2  }
0x97: {  	_ =	strace $0x8FFFFFFF  }
0x98: {  	s18 =	sld [smem:$0x3FDB];
	_ =	sdelay $0x1  }
0x99: {  	s19 =	simm.s32 $_scs_section_size  }
0x9a: {  	s4 =	simm.s32 $_size__tile_overlayer_lowered;
	s5 =	simm.s32 $_tile_overlayer_lowered  }
0x9b: {  	s22 =	simm.s32 $0x1BFF;
	s21 =	sshll.u32 s5, $0x1;
	s2 =	sadd.s32 s19, s18  }
0x9c: {  	s6 =	simm.s32 $0x0;
	s20 =	sshll.u32 s4, $0x1;
	s4 =	sadd.s32 s21, s2  }
0x9d: {  	[timem:s6], [sflag:s22] =	dma.local [hbm:s4], s20  }
0x9e: {  	_ =	swait.ge [sflag:s22], s20  }
0x9f: {  	s3 =	ssub.s32 $0x0, s20;
	[sflag:s22] =	ssyncset.done $0x0  }
0xa0: {  	[sflag:s22] =	ssyncadd.s32 s3;
	_ =	sdelay $0x1  }
0xa1: {  	s23 =	simm.s32 $0x1B8B  }
0xa2: {  	_ =	swait.ge [sflag:s23], $0x1  }
0xa3: {  	[sflag:s23] =	ssyncset.done $0x0  }
0xa4: {  	s25 =	simm.s32 $0x1B8E;
	s24 =	sld [smem:$0x3FFE];
	[sflag:s23] =	ssyncadd.s32 $0xFFFFFFFF  }
0xa5: {  	s26 =	simm.s32 $execute0_lowered;
	[smem:$0x3FD2] =	sst s25  }
0xa6: {  	s4 =	sshll.u32 s26, $0x1;
	_ =	strace $0x80000049;
	[dreg:$0x1] =	wrdreg $0xFFFFFFFF  }
0xa7: {  	s28 =	simm.s32 $_size_execute0_lowered;
	s2 =	sadd.s32 s2, s4;
	[dreg:$0x0] =	wrdreg $0x0  }
0xa8: {  	s4 =	sshll.u32 s28, $0x1;
	[dreg:$0x2] =	wrdreg s2  }
0xa9: {  	[dreg:$0x3] =	wrdreg s4  }
0xaa: {  	[dreg:$0x4] =	wrdreg $0xC0  }
0xab: {  	_ =	task [dreg:s6], $0x5FFFF  }
0xac: {  	[dreg:$0x1] =	wrdreg $0xFFFFFFFF  }
0xad: {  	[dreg:$0x0] =	wrdreg $0x60  }
0xae: {  	[dreg:$0x2] =	wrdreg s24  }
0xaf: {  	[dreg:$0x3] =	wrdreg $0x0  }
0xb0: {  	[dreg:$0x4] =	wrdreg $0x9  }
0xb1: {  	_ =	task.clear_ibuf [dreg:s6], $0x5FFFF;
	_ =	strace $0x90000049  }
0xb2: {  	s29 =	simm.s32 $0x9;
	_ =	strace $0x8000004B  }
0xb3: {  	_ =	swait.ge [sflag:s29], $0x1  }
0xb4: {  	[sflag:s29] =	ssyncadd.s32 $0xFFFFFFFF  }
0xb5: {  	_ =	strace $0x9000004B  }
0xb6: {  	_ =	sfence  }
0xb7: {  	s30 =	sld [smem:$0x0];
	_ =	sdelay $0x2  }
0xb8: {  	s31 =	sshll.u32 s1, $0xD;
	s1 =	sshrl.u32 s1, $0x2  }
0xb9: {  	s3 =	sand.u32 $0x4000, s31;
	s1 =	sadd.s32 s1, s30  }
0xba: {  	s0 =	sor.u32 s3, s0;
	s1 =	sshll.u32 s1, $0x11  }
0xbb: {  	s0 =	sor.u32 s1, s0  }
0xbc: {  	s0 =	sadd.s32 $0x8F2B, s0  }
0xbd: {  	[sflag:s0] =	ssyncadd.remote.s32 $0x1  }
0xbe: {  	_ =	sfence.sel $0xFFFF  }
0xbf: {  	[dreg:$0x0] =	wrdreg $0xFFFFFFFF;
	(pc) =	sbr.abs _section_cstart, $3  }
0xc0: {  	[dreg:$0x1] =	wrdreg $0xFFFFFFFF  }
0xc1: {  	_ =	task.clear_ibuf [dreg:s6], $0x2FFFF;
	_ =	strace $0x9FFFFFFF  }
0xc2: {  	(tm) =	ssettm $0x7FFFFFFF  }
0xc3: {  	_ =	shalt  }
tec
execute0_lowered:
.L_overlay_start_1:
0x0: {  	(tag) =	ssettag $0x1  }
0x1: {  	s1 =	srdreg.scid  }
0x2: {  	s0 =	stileid.u32;
	s6 =	rddreg [dreg:$0x0]  }
0x3: {  	s2 =	rddreg [dreg:$0x1];
	s3 =	simm.s32 $0x0;
	s12 =	simm.s32 $0x16800  }
0x4: {  	s15 =	simm.s32 $0x80;
	s16 =	simm.s32 $0x19000;
	s17 =	simm.s32 $0x0  }
0x5: {  	s5 =	sand.u32 $0x1, s1;
	s29 =	sshll.u32 s0, $0x1;
	s9 =	smul.u32 $0x14000, s0  }
0x6: {  	[smem:$0x7FF] =	sst s3;
	s4 =	sadd.s32 $0x16000, s6;
	s11 =	smul.u32 $0x50000, s0  }
0x7: {  	s13 =	sshll.u32 s0, $0x6;
	s1 =	sor.u32 s5, s29;
	s8 =	smul.u32 $0x140000, s5  }
0x8: {  	s30 =	ssub.s32 $0x2, s5;
	s5 =	sadd.s32 $0x3E000, s6;
	s13 =	sor.u32 $0x1C01, s13  }
0x9: {  	s7 =	smul.u32 $0x500, s1;
	s1 =	rddreg [dreg:$0x2];
	_ =	strace $0x8000004A  }
0xa: {  	s10 =	sshrl.u32 s30, $0x1;
	s31 =	sshrl.u32 s11, $0x2;
	s11 =	simm.s32 $0x1  }
0xb: {  	s8 =	sadd.s32 s9, s8;
	s9 =	ssub.s32 s30, s10;
	s14 =	sadd.s32 s31, s2  }
0xc: {  	s10 =	simm.s32 $0x14000;
	s7 =	sadd.s32 s7, s6;
	s8 =	sshrl.u32 s8, $0x3  }
0xd: {  	s9 =	smax.u32 s9, $0x1;
	s14 =	sshrl.u32 s14, $0x3;
	s8 =	sadd.s32 s8, s6  }
0xe: {  	s6 =	sadd.s32 $0xC000, s7;
	s7 =	sadd.s32 $0x1400, s7;
	s8 =	sadd.s32 $0x40800, s8  }
.LBB2_1:
0xf: {  	[tilespmem:s10], [sflag:$0x1] =	stream.linear.gather [hbm4b:s6+s3], $0x2800, $0x38;
	[tilespmem:$0x1D000] =	vst v63  }
0x10: {  	_ =	swait.ge [sflag:s11], $0x2800  }
0x11: {  	[sflag:s11] =	ssyncset.done $0x0  }
0x12: {  	[sflag:s11] =	ssyncadd.s32 $0xFFFFD800  }
0x13: {  	[tilespmem:s12], [sflag:$0x1] =	stream.linear.gather [hbm4b:s7+s3], $0x2800, $0x38;
	[tilespmem:$0x1D000] =	vst v63  }
0x14: {  	_ =	swait.ge [sflag:s11], $0x2800  }
0x15: {  	[sflag:s11] =	ssyncset.done $0x0  }
0x16: {  	[sflag:s11] =	ssyncadd.s32 $0xFFFFD800  }
0x17: {  	[spmem:s14], [sflag:s13] =	dma.local [hbm:s5], $0x2800  }
0x18: {  	_ =	swait.ge [sflag:s11], $0x2800  }
0x19: {  	[sflag:s11] =	ssyncset.done $0x0  }
0x1a: {  	[sflag:s11] =	ssyncadd.s32 $0xFFFFD800  }
0x1b: {  	s18 =	simm.s32 $0x14000;
	[bflag:$0x0] =	sbarrier.arrive $0xFFFF  }
0x1c: {  	[tilespmem:s16], [sflag:$0x1] =	stream.indirect.gather [hbm4b:s4+s15], $0x80, s18, s15, $0xb8;
	[tilespmem:$0x1D000] =	vst v63  }
0x1d: {  	_ =	swait.ge [sflag:s11], $0x4000  }
0x1e: {  	[sflag:s11] =	ssyncset.done $0x0  }
0x1f: {  	s31 =	simm.s32 $0x16800;
	[sflag:s11] =	ssyncadd.s32 $0xFFFFC000  }
0x20: {  	[spmem:s2] =	stream.indirect.scatter.add.f32 [tilespmem:s16], [sflag:$0x1], $0x80, s31, s15, $0xb8;
	[tilespmem:$0x1D000] =	vst v63  }
0x21: {  	_ =	swait.ge [sflag:s11], $0x4000  }
0x22: {  	s19 =	simm.s32 $0x400;
	s18 =	simm.s32 $0x80;
	[sflag:s11] =	ssyncset.done $0x0  }
.LBB2_2:
0x23: {  	s20 =	sadd.s32 $0x14000, s18  }
0x24: {  	[sflag:s11] =	ssyncadd.s32 $0xFFFFC000;
	s21 =	smov.u32 s19;
	s22 =	sadd.s32 $0x200, s19  }
0x25: {  	[tilespmem:s16], [sflag:$0x1] =	stream.indirect.gather [hbm4b:s4+s15], $0x80, s20, s15, $0xb8;
	[tilespmem:$0x1D000] =	vst v63  }
0x26: {  	p0 =	sne.s32 s19, $0x9E00;
	_ =	swait.ge [sflag:s11], $0x4000  }
.Ltmp0:
0x27: {  	[sflag:s11] =	ssyncset.done $0x0;
	(pc) =	sbr.rel @p0 .LBB2_2-.Ltmp0, $4  }
0x28: {  	s18 =	sadd.s32 $0x16800, s18;
	[sflag:s11] =	ssyncadd.s32 $0xFFFFC000  }
0x29: {  	[spmem:s2] =	stream.indirect.scatter.add.f32 [tilespmem:s16], [sflag:$0x1], $0x80, s18, s15, $0xb8;
	[tilespmem:$0x1D000] =	vst v63  }
0x2a: {  	_ =	swait.ge [sflag:s11], $0x4000  }
0x2b: {  	s19 =	smov.u32 s22;
	s18 =	sshra.s32 s21, $0x2;
	[sflag:s11] =	ssyncset.done $0x0  }
0x2c: {  	s19 =	sadd.s32 $0x14000, s18;
	[sflag:s11] =	ssyncadd.s32 $0xFFFFC000  }
0x2d: {  	[tilespmem:s16], [sflag:$0x1] =	stream.indirect.gather [hbm4b:s4+s15], $0x80, s19, s15, $0xb8;
	[tilespmem:$0x1D000] =	vst v63  }
0x2e: {  	_ =	swait.ge [sflag:s11], $0x4000  }
0x2f: {  	[sflag:s11] =	ssyncset.done $0x0  }
0x30: {  	s31 =	sadd.s32 $0x16800, s18;
	[sflag:s11] =	ssyncadd.s32 $0xFFFFC000  }
0x31: {  	[spmem:s2] =	stream.indirect.scatter.add.f32 [tilespmem:s16], [sflag:$0x1], $0x80, s31, s15, $0xb8;
	[tilespmem:$0x1D000] =	vst v63  }
0x32: {  	_ =	swait.ge [sflag:s11], $0x4000  }
0x33: {  	s17 =	sadd.s32 $0x1, s17;
	[sflag:s11] =	ssyncset.done $0x0  }
0x34: {  	p0 =	sne.s32 s17, s9;
	[sflag:s11] =	ssyncadd.s32 $0xFFFFC000  }
.Ltmp1:
0x35: {  	[bflag:$0x0] =	sbarrier.arrive $0xFFFF;
	(pc) =	sbr.rel @p0 .LBB2_1-.Ltmp1, $4  }
0x36: {  	[hbm:s8], [sflag:s13] =	dma.local [spmem:s14], $0x2800  }
0x37: {  	_ =	swait.ge [sflag:s11], $0x2800  }
0x38: {  	[sflag:s11] =	ssyncset.done $0x0  }
0x39: {  	[sflag:s11] =	ssyncadd.s32 $0xFFFFD800  }
0x3a: {  	_ =	sfence.sel $0x180000  }
0x3b: {  	[bflag:$0x0] =	sbarrier.arrive $0xFFFF  }
0x3c: {  	p0 =	sne.s32 s0, $0x0;
	_ =	strace $0x9000004A  }
0x3d: {  	s0 =	sadd.s32 @!p0 $0x100000, s1;
	[bflag:$0x2] =	sbarrier.arrive $0xFFFF  }
0x3e: {  	[sflag:s0] =	ssyncadd.tile.s32 @!p0 $0x1;
	_ =	shalt  }
.Lfunc_end2:
_tile_overlayer_lowered:
.L_overlay_start_2:
0x3f: {  	(tag) =	ssettag $0x2  }
0x40: {  	s0 =	rddreg [dreg:$0x0];
	s2 =	stileid.u32  }
0x41: {  	s1 =	rddreg [dreg:$0x1];
	p0 =	sne.s32 s2, $0x0  }
0x42: {  	s3 =	rddreg [dreg:$0x2];
	[bflag:$0x3] =	sbarrier.arrive $0xFFFF;
	s2 =	simm.s32 @!p0 $0x1C01  }
0x43: {  	[timem:s3], [sflag:s2] =	dma.local @!p0 [hbm:s0], s1  }
0x44: {  	s0 =	simm.s32 @!p0 $0x1  }
0x45: {  	_ =	swait.ge @!p0 [sflag:s0], s1  }
0x46: {  	s1 =	ssub.s32 @!p0 $0x0, s1;
	[sflag:s0] =	ssyncset.done @!p0 $0x0  }
0x47: {  	[sflag:s0] =	ssyncadd.s32 @!p0 s1  }
0x48: {  	[bflag:$0x3] =	sbarrier.arrive $0xFFFF  }
0x49: {  	_ =	shalt  }

// kernel: kernel.15.cloned.1.call-start
scs
__scs_entry_jumppad:
0x0: {  	(pc) =	sbr.rel $0x88, $3  }
0x1: {  	(tag) =	ssettag $0x0;
	lr =	simm.s32 $0x1  }
0x2: {  	[smem:$0x3F99] =	sst lr;
	_ =	strace $0xD0000000  }
0x3: {  	_ = 	snop  }
0x4: {  	_ = 	snop  }
0x5: {  	_ = 	snop  }
0x6: {  	_ = 	snop  }
0x7: {  	_ = 	snop  }
__scs_overlays_trampoline_lowered:
0x8: {  	[smem:$0x3FA8] =	sst s0  }
0x9: {  	[smem:$0x3FA9] =	sst s1  }
0xa: {  	[smem:$0x3FAA] =	sst s2  }
0xb: {  	[smem:$0x3FAB] =	sst s3  }
0xc: {  	[smem:$0x3FAC] =	sst s4  }
0xd: {  	[smem:$0x3FAD] =	sst s5  }
0xe: {  	[smem:$0x3FAE] =	sst s6  }
0xf: {  	[smem:$0x3FAF] =	sst s7  }
0x10: {  	[smem:$0x3FB0] =	sst s8  }
0x11: {  	[smem:$0x3FB1] =	sst s9;
	s0 =	simm.s32 @!p0 $0x0  }
0x12: {  	s1 =	sld [smem:$0x3F97];
	s0 =	simm.s32 @p0 $0x1  }
0x13: {  	[smem:$0x3FB2] =	sst s0;
	s0 =	simm.s32 @!p1 $0x0  }
0x14: {  	s2 =	sld [smem:$0x3F96];
	s0 =	simm.s32 @p1 $0x1  }
0x15: {  	[smem:$0x3FB3] =	sst s0;
	s0 =	simm.s32 @!p2 $0x0  }
0x16: {  	s3 =	sld [smem:$0x3FDB];
	s0 =	simm.s32 @p2 $0x1  }
0x17: {  	s4 =	simm.s32 $0x1BF5;
	[smem:$0x3FB5] =	sst s0  }
0x18: {  	s0 =	sld [smem:$0x3F98];
	_ =	swait.ge [sflag:s4], $0x0  }
0x19: {  	s7 =	sld [smem:$0x3F99]  }
0x1a: {  	s8 =	sadd.s32 $0xFFFFE003, lr  }
0x1b: {  	s9 =	sadd.s32 $0xFFFFFEF7, lr;
	s5 =	simm.s32 $0xFFFFFFFF;
	p2 =	slt.u32 s8, $0xFFFFF086  }
0x1c: {  	p1 =	slt.u32 s9, $0xF7A;
	s5 =	simm.s32 @!p2 $0x0  }
0x1d: {  	s5 =	simm.s32 @p1 $0x1;
	p0 =	seq.s32 s7, s2  }
0x1e: {  	s7 =	smul.u32 @!p0 $0xF7A, s2;
	p2 =	seq.s32 @!p0 s5, $0x0  }
0x1f: {  	s9 =	smul.u32 $0xF7A, s1;
	s8 =	simm.s32 @!p0 $0x1BF5;
	p2 =	por !p2, p0  }
0x20: {  	[sflag:s8] =	ssyncset.s32 @!p0 $0xFFFFF086;
	s6 =	sadd.s32 @!p0 s3, s7;
	s7 =	simm.s32 @!p0 $0x108  }
0x21: {  	s3 =	sadd.s32 s3, s9;
	s6 =	sadd.s32 @!p0 $0x88, s6;
	s7 =	simm.s32 @p2 $0x1082  }
0x22: {  	[simem:s7], [sflag:s8] =	dma.local @!p0 [hbm:s6], $0xF7A  }
0x23: {  	s9 =	sor.u32 $0xD0000000, s2;
	s6 =	simm.s32 $0x108;
	_ =	swait.ge @!p0 [sflag:s8], $0x0  }
0x24: {  	s3 =	sadd.s32 $0x88, s3;
	s6 =	simm.s32 @!p1 $0x1082;
	[sflag:s4] =	ssyncset.s32 $0xFFFFF086  }
0x25: {  	[simem:s6], [sflag:s4] =	dma.local [hbm:s3], $0xF7A  }
0x26: {  	[smem:$0x3F99] =	sst s1;
	(tag) =	ssettag s2;
	_ =	strace s9  }
0x27: {  	s1 =	sld [smem:$0x3FA9]  }
0x28: {  	s2 =	sld [smem:$0x3FAA]  }
0x29: {  	s4 =	sld [smem:$0x3FAC]  }
0x2a: {  	p0 =	seq.s32 s5, $0x0;
	s5 =	sld [smem:$0x3FAD]  }
0x2b: {  	s6 =	sld [smem:$0x3FAE]  }
0x2c: {  	s7 =	sld [smem:$0x3FAF]  }
0x2d: {  	s3 =	simm.s32 $0x108;
	s8 =	sld [smem:$0x3FB0]  }
0x2e: {  	s3 =	simm.s32 @!p0 $0x1082;
	s9 =	sld [smem:$0x3FB1]  }
0x2f: {  	lr =	sadd.s32 s0, s3;
	s0 =	sld [smem:$0x3FA8]  }
0x30: {  	s3 =	sld [smem:$0x3FAB]  }
0x31: {  	[smem:$0x3FB4] =	sst s10  }
0x32: {  	s10 =	sld [smem:$0x3FB2];
	_ =	sdelay $0x3  }
0x33: {  	p0 =	seq.s32 s10, $0x1;
	s10 =	sld [smem:$0x3FB4];
	_ =	sdelay $0x3  }
0x34: {  	[smem:$0x3FB4] =	sst s10  }
0x35: {  	s10 =	sld [smem:$0x3FB3];
	_ =	sdelay $0x3  }
0x36: {  	p1 =	seq.s32 s10, $0x1;
	s10 =	sld [smem:$0x3FB4];
	_ =	sdelay $0x3  }
0x37: {  	[smem:$0x3FB4] =	sst s10  }
0x38: {  	s10 =	sld [smem:$0x3FB5]  }
0x39: {  	_ = 	snop;
	(pc) =	sbr.ind lr, $3  }
0x3a: {  	_ = 	snop  }
0x3b: {  	_ = 	snop  }
0x3c: {  	p2 =	seq.s32 s10, $0x1;
	s10 =	sld [smem:$0x3FB4]  }
0x3d: {  	_ =	shalt  }
0x3e: {  	_ =	shalt  }
0x3f: {  	_ =	shalt  }
0x40: {  	_ =	shalt  }
0x41: {  	_ =	shalt  }
0x42: {  	_ =	shalt  }
0x43: {  	_ =	shalt  }
0x44: {  	_ =	shalt  }
0x45: {  	_ =	shalt  }
0x46: {  	_ =	shalt  }
0x47: {  	_ =	shalt  }
0x48: {  	_ =	shalt  }
0x49: {  	_ =	shalt  }
0x4a: {  	_ =	shalt  }
0x4b: {  	_ =	shalt  }
0x4c: {  	_ =	shalt  }
0x4d: {  	_ =	shalt  }
0x4e: {  	_ =	shalt  }
0x4f: {  	_ =	shalt  }
0x50: {  	_ =	shalt  }
0x51: {  	_ =	shalt  }
0x52: {  	_ =	shalt  }
0x53: {  	_ =	shalt  }
0x54: {  	_ =	shalt  }
0x55: {  	_ =	shalt  }
0x56: {  	_ =	shalt  }
0x57: {  	_ =	shalt  }
0x58: {  	_ =	shalt  }
0x59: {  	_ =	shalt  }
0x5a: {  	_ =	shalt  }
0x5b: {  	_ =	shalt  }
0x5c: {  	_ =	shalt  }
0x5d: {  	_ =	shalt  }
0x5e: {  	_ =	shalt  }
0x5f: {  	_ =	shalt  }
0x60: {  	_ =	shalt  }
0x61: {  	_ =	shalt  }
0x62: {  	_ =	shalt  }
0x63: {  	_ =	shalt  }
0x64: {  	_ =	shalt  }
0x65: {  	_ =	shalt  }
0x66: {  	_ =	shalt  }
0x67: {  	_ =	shalt  }
0x68: {  	_ =	shalt  }
0x69: {  	_ =	shalt  }
0x6a: {  	_ =	shalt  }
0x6b: {  	_ =	shalt  }
0x6c: {  	_ =	shalt  }
0x6d: {  	_ =	shalt  }
0x6e: {  	_ =	shalt  }
0x6f: {  	_ =	shalt  }
0x70: {  	_ =	shalt  }
0x71: {  	_ =	shalt  }
0x72: {  	_ =	shalt  }
0x73: {  	_ =	shalt  }
0x74: {  	_ =	shalt  }
0x75: {  	_ =	shalt  }
0x76: {  	_ =	shalt  }
0x77: {  	_ =	shalt  }
0x78: {  	_ =	shalt  }
0x79: {  	_ =	shalt  }
0x7a: {  	_ =	shalt  }
0x7b: {  	_ =	shalt  }
0x7c: {  	_ =	shalt  }
0x7d: {  	_ =	shalt  }
0x7e: {  	_ =	shalt  }
0x7f: {  	_ =	shalt  }
0x80: {  	_ =	shalt  }
0x81: {  	_ =	shalt  }
0x82: {  	_ =	shalt  }
0x83: {  	_ =	shalt  }
0x84: {  	_ =	shalt  }
0x85: {  	_ =	shalt  }
0x86: {  	_ =	shalt  }
0x87: {  	_ =	shalt  }
.Lfunc_end0:
.L_simem_size_0:
called_computation.2_lowered:
.L_overlay_start_0:
0x88: {  	s2 =	sld [smem:$0x3FD9]  }
0x89: {  	s3 =	sld [smem:$0x3FFE];
	_ =	sdelay $0x1  }
0x8a: {  	s1 =	srdreg.scid  }
0x8b: {  	s0 =	sand.u32 $0x1, s1  }
0x8c: {  	s16 =	sshll.u32 s0, $0xA;
	s2 =	sadd.s32 s3, s2  }
0x8d: {  	s2 =	sadd.s32 s2, s16  }
0x8e: {  	[smem:$0x3FC0] =	sst s2  }
0x8f: {  	_ = 	snop  }
0x90: {  	(tm) =	ssettm $0x1  }
0x91: {  	s17 =	sld [smem:$0x3FFB];
	_ =	sdelay $0x3  }
0x92: {  	_ =	strace s17  }
0x93: {  	s2 =	sld [smem:$0x3FFC];
	_ =	sdelay $0x3  }
0x94: {  	_ =	strace s2  }
0x95: {  	s2 =	sld [smem:$0x3FFD];
	_ =	sdelay $0x3  }
0x96: {  	_ =	strace s2  }
0x97: {  	_ =	strace $0x8FFFFFFF  }
0x98: {  	s18 =	sld [smem:$0x3FDB];
	_ =	sdelay $0x1  }
0x99: {  	s19 =	simm.s32 $_scs_section_size  }
0x9a: {  	s4 =	simm.s32 $_size__tile_overlayer_lowered;
	s5 =	simm.s32 $_tile_overlayer_lowered  }
0x9b: {  	s22 =	simm.s32 $0x1BFF;
	s21 =	sshll.u32 s5, $0x1;
	s2 =	sadd.s32 s19, s18  }
0x9c: {  	s6 =	simm.s32 $0x0;
	s20 =	sshll.u32 s4, $0x1;
	s4 =	sadd.s32 s21, s2  }
0x9d: {  	[timem:s6], [sflag:s22] =	dma.local [hbm:s4], s20  }
0x9e: {  	_ =	swait.ge [sflag:s22], s20  }
0x9f: {  	s3 =	ssub.s32 $0x0, s20;
	[sflag:s22] =	ssyncset.done $0x0  }
0xa0: {  	[sflag:s22] =	ssyncadd.s32 s3;
	_ =	sdelay $0x1  }
0xa1: {  	s23 =	simm.s32 $0x1B8B  }
0xa2: {  	_ =	swait.ge [sflag:s23], $0x1  }
0xa3: {  	[sflag:s23] =	ssyncset.done $0x0  }
0xa4: {  	s25 =	simm.s32 $0x1B8E;
	s24 =	sld [smem:$0x3FFE];
	[sflag:s23] =	ssyncadd.s32 $0xFFFFFFFF  }
0xa5: {  	s26 =	simm.s32 $execute0_lowered;
	[smem:$0x3FD2] =	sst s25  }
0xa6: {  	s4 =	sshll.u32 s26, $0x1;
	_ =	strace $0x8000004C;
	[dreg:$0x1] =	wrdreg $0xFFFFFFFF  }
0xa7: {  	s28 =	simm.s32 $_size_execute0_lowered;
	s2 =	sadd.s32 s2, s4;
	[dreg:$0x0] =	wrdreg $0x0  }
0xa8: {  	s4 =	sshll.u32 s28, $0x1;
	[dreg:$0x2] =	wrdreg s2  }
0xa9: {  	[dreg:$0x3] =	wrdreg s4  }
0xaa: {  	[dreg:$0x4] =	wrdreg $0xC0  }
0xab: {  	_ =	task [dreg:s6], $0x5FFFF  }
0xac: {  	[dreg:$0x1] =	wrdreg $0xFFFFFFFF  }
0xad: {  	[dreg:$0x0] =	wrdreg $0x60  }
0xae: {  	[dreg:$0x2] =	wrdreg s24  }
0xaf: {  	[dreg:$0x3] =	wrdreg $0x0  }
0xb0: {  	[dreg:$0x4] =	wrdreg $0x9  }
0xb1: {  	_ =	task.clear_ibuf [dreg:s6], $0x5FFFF;
	_ =	strace $0x9000004C  }
0xb2: {  	s29 =	simm.s32 $0x9;
	_ =	strace $0x8000004E  }
0xb3: {  	_ =	swait.ge [sflag:s29], $0x1  }
0xb4: {  	[sflag:s29] =	ssyncadd.s32 $0xFFFFFFFF  }
0xb5: {  	_ =	strace $0x9000004E  }
0xb6: {  	_ =	sfence  }
0xb7: {  	s30 =	sld [smem:$0x0];
	_ =	sdelay $0x2  }
0xb8: {  	s31 =	sshll.u32 s1, $0xD;
	s1 =	sshrl.u32 s1, $0x2  }
0xb9: {  	s3 =	sand.u32 $0x4000, s31;
	s1 =	sadd.s32 s1, s30  }
0xba: {  	s0 =	sor.u32 s3, s0;
	s1 =	sshll.u32 s1, $0x11  }
0xbb: {  	s0 =	sor.u32 s1, s0  }
0xbc: {  	s0 =	sadd.s32 $0x8F2B, s0  }
0xbd: {  	[sflag:s0] =	ssyncadd.remote.s32 $0x1  }
0xbe: {  	_ =	sfence.sel $0xFFFF  }
0xbf: {  	[dreg:$0x0] =	wrdreg $0xFFFFFFFF;
	(pc) =	sbr.abs _section_cstart, $3  }
0xc0: {  	[dreg:$0x1] =	wrdreg $0xFFFFFFFF  }
0xc1: {  	_ =	task.clear_ibuf [dreg:s6], $0x2FFFF;
	_ =	strace $0x9FFFFFFF  }
0xc2: {  	(tm) =	ssettm $0x7FFFFFFF  }
0xc3: {  	_ =	shalt  }
tec
execute0_lowered:
.L_overlay_start_1:
0x0: {  	(tag) =	ssettag $0x1  }
0x1: {  	s1 =	srdreg.scid  }
0x2: {  	s0 =	stileid.u32;
	s6 =	rddreg [dreg:$0x0]  }
0x3: {  	s2 =	rddreg [dreg:$0x1];
	s3 =	simm.s32 $0x0;
	s12 =	simm.s32 $0x16800  }
0x4: {  	s15 =	simm.s32 $0x80;
	s16 =	simm.s32 $0x19000;
	s17 =	simm.s32 $0x0  }
0x5: {  	s5 =	sand.u32 $0x1, s1;
	s29 =	sshll.u32 s0, $0x1;
	s9 =	smul.u32 $0x14000, s0  }
0x6: {  	[smem:$0x7FF] =	sst s3;
	s4 =	sadd.s32 $0x16000, s6;
	s11 =	smul.u32 $0x50000, s0  }
0x7: {  	s13 =	sshll.u32 s0, $0x6;
	s1 =	sor.u32 s5, s29;
	s8 =	smul.u32 $0x140000, s5  }
0x8: {  	s30 =	ssub.s32 $0x2, s5;
	s5 =	sadd.s32 $0x3E000, s6;
	s13 =	sor.u32 $0x1C01, s13  }
0x9: {  	s7 =	smul.u32 $0x500, s1;
	s1 =	rddreg [dreg:$0x2];
	_ =	strace $0x8000004D  }
0xa: {  	s10 =	sshrl.u32 s30, $0x1;
	s31 =	sshrl.u32 s11, $0x2;
	s11 =	simm.s32 $0x1  }
0xb: {  	s8 =	sadd.s32 s9, s8;
	s9 =	ssub.s32 s30, s10;
	s14 =	sadd.s32 s31, s2  }
0xc: {  	s10 =	simm.s32 $0x14000;
	s7 =	sadd.s32 s7, s6;
	s8 =	sshrl.u32 s8, $0x3  }
0xd: {  	s9 =	smax.u32 s9, $0x1;
	s14 =	sshrl.u32 s14, $0x3;
	s8 =	sadd.s32 s8, s6  }
0xe: {  	s6 =	sadd.s32 $0xC000, s7;
	s7 =	sadd.s32 $0x1400, s7;
	s8 =	sadd.s32 $0x40800, s8  }
.LBB2_1:
0xf: {  	[tilespmem:s10], [sflag:$0x1] =	stream.linear.gather [hbm4b:s6+s3], $0x2800, $0x38;
	[tilespmem:$0x1D000] =	vst v63  }
0x10: {  	_ =	swait.ge [sflag:s11], $0x2800  }
0x11: {  	[sflag:s11] =	ssyncset.done $0x0  }
0x12: {  	[sflag:s11] =	ssyncadd.s32 $0xFFFFD800  }
0x13: {  	[tilespmem:s12], [sflag:$0x1] =	stream.linear.gather [hbm4b:s7+s3], $0x2800, $0x38;
	[tilespmem:$0x1D000] =	vst v63  }
0x14: {  	_ =	swait.ge [sflag:s11], $0x2800  }
0x15: {  	[sflag:s11] =	ssyncset.done $0x0  }
0x16: {  	[sflag:s11] =	ssyncadd.s32 $0xFFFFD800  }
0x17: {  	[spmem:s14], [sflag:s13] =	dma.local [hbm:s5], $0x2800  }
0x18: {  	_ =	swait.ge [sflag:s11], $0x2800  }
0x19: {  	[sflag:s11] =	ssyncset.done $0x0  }
0x1a: {  	[sflag:s11] =	ssyncadd.s32 $0xFFFFD800  }
0x1b: {  	s18 =	simm.s32 $0x14000;
	[bflag:$0x0] =	sbarrier.arrive $0xFFFF  }
0x1c: {  	[tilespmem:s16], [sflag:$0x1] =	stream.indirect.gather [hbm4b:s4+s15], $0x80, s18, s15, $0xb8;
	[tilespmem:$0x1D000] =	vst v63  }
0x1d: {  	_ =	swait.ge [sflag:s11], $0x4000  }
0x1e: {  	[sflag:s11] =	ssyncset.done $0x0  }
0x1f: {  	s31 =	simm.s32 $0x16800;
	[sflag:s11] =	ssyncadd.s32 $0xFFFFC000  }
0x20: {  	[spmem:s2] =	stream.indirect.scatter.add.f32 [tilespmem:s16], [sflag:$0x1], $0x80, s31, s15, $0xb8;
	[tilespmem:$0x1D000] =	vst v63  }
0x21: {  	_ =	swait.ge [sflag:s11], $0x4000  }
0x22: {  	s19 =	simm.s32 $0x400;
	s18 =	simm.s32 $0x80;
	[sflag:s11] =	ssyncset.done $0x0  }
.LBB2_2:
0x23: {  	s20 =	sadd.s32 $0x14000, s18  }
0x24: {  	[sflag:s11] =	ssyncadd.s32 $0xFFFFC000;
	s21 =	smov.u32 s19;
	s22 =	sadd.s32 $0x200, s19  }
0x25: {  	[tilespmem:s16], [sflag:$0x1] =	stream.indirect.gather [hbm4b:s4+s15], $0x80, s20, s15, $0xb8;
	[tilespmem:$0x1D000] =	vst v63  }
0x26: {  	p0 =	sne.s32 s19, $0x9E00;
	_ =	swait.ge [sflag:s11], $0x4000  }
.Ltmp0:
0x27: {  	[sflag:s11] =	ssyncset.done $0x0;
	(pc) =	sbr.rel @p0 .LBB2_2-.Ltmp0, $4  }
0x28: {  	s18 =	sadd.s32 $0x16800, s18;
	[sflag:s11] =	ssyncadd.s32 $0xFFFFC000  }
0x29: {  	[spmem:s2] =	stream.indirect.scatter.add.f32 [tilespmem:s16], [sflag:$0x1], $0x80, s18, s15, $0xb8;
	[tilespmem:$0x1D000] =	vst v63  }
0x2a: {  	_ =	swait.ge [sflag:s11], $0x4000  }
0x2b: {  	s19 =	smov.u32 s22;
	s18 =	sshra.s32 s21, $0x2;
	[sflag:s11] =	ssyncset.done $0x0  }
0x2c: {  	s19 =	sadd.s32 $0x14000, s18;
	[sflag:s11] =	ssyncadd.s32 $0xFFFFC000  }
0x2d: {  	[tilespmem:s16], [sflag:$0x1] =	stream.indirect.gather [hbm4b:s4+s15], $0x80, s19, s15, $0xb8;
	[tilespmem:$0x1D000] =	vst v63  }
0x2e: {  	_ =	swait.ge [sflag:s11], $0x4000  }
0x2f: {  	[sflag:s11] =	ssyncset.done $0x0  }
0x30: {  	s31 =	sadd.s32 $0x16800, s18;
	[sflag:s11] =	ssyncadd.s32 $0xFFFFC000  }
0x31: {  	[spmem:s2] =	stream.indirect.scatter.add.f32 [tilespmem:s16], [sflag:$0x1], $0x80, s31, s15, $0xb8;
	[tilespmem:$0x1D000] =	vst v63  }
0x32: {  	_ =	swait.ge [sflag:s11], $0x4000  }
0x33: {  	s17 =	sadd.s32 $0x1, s17;
	[sflag:s11] =	ssyncset.done $0x0  }
0x34: {  	p0 =	sne.s32 s17, s9;
	[sflag:s11] =	ssyncadd.s32 $0xFFFFC000  }
.Ltmp1:
0x35: {  	[bflag:$0x0] =	sbarrier.arrive $0xFFFF;
	(pc) =	sbr.rel @p0 .LBB2_1-.Ltmp1, $4  }
0x36: {  	[hbm:s8], [sflag:s13] =	dma.local [spmem:s14], $0x2800  }
0x37: {  	_ =	swait.ge [sflag:s11], $0x2800  }
0x38: {  	[sflag:s11] =	ssyncset.done $0x0  }
0x39: {  	[sflag:s11] =	ssyncadd.s32 $0xFFFFD800  }
0x3a: {  	_ =	sfence.sel $0x180000  }
0x3b: {  	[bflag:$0x0] =	sbarrier.arrive $0xFFFF  }
0x3c: {  	p0 =	sne.s32 s0, $0x0;
	_ =	strace $0x9000004D  }
0x3d: {  	s0 =	sadd.s32 @!p0 $0x100000, s1;
	[bflag:$0x2] =	sbarrier.arrive $0xFFFF  }
0x3e: {  	[sflag:s0] =	ssyncadd.tile.s32 @!p0 $0x1;
	_ =	shalt  }
.Lfunc_end2:
_tile_overlayer_lowered:
.L_overlay_start_2:
0x3f: {  	(tag) =	ssettag $0x2  }
0x40: {  	s0 =	rddreg [dreg:$0x0];
	s2 =	stileid.u32  }
0x41: {  	s1 =	rddreg [dreg:$0x1];
	p0 =	sne.s32 s2, $0x0  }
0x42: {  	s3 =	rddreg [dreg:$0x2];
	[bflag:$0x3] =	sbarrier.arrive $0xFFFF;
	s2 =	simm.s32 @!p0 $0x1C01  }
0x43: {  	[timem:s3], [sflag:s2] =	dma.local @!p0 [hbm:s0], s1  }
0x44: {  	s0 =	simm.s32 @!p0 $0x1  }
0x45: {  	_ =	swait.ge @!p0 [sflag:s0], s1  }
0x46: {  	s1 =	ssub.s32 @!p0 $0x0, s1;
	[sflag:s0] =	ssyncset.done @!p0 $0x0  }
0x47: {  	[sflag:s0] =	ssyncadd.s32 @!p0 s1  }
0x48: {  	[bflag:$0x3] =	sbarrier.arrive $0xFFFF  }
0x49: {  	_ =	shalt  }

// kernel: kernel.9.cloned.1.call-start
scs
__scs_entry_jumppad:
0x0: {  	(pc) =	sbr.rel $0x88, $3  }
0x1: {  	(tag) =	ssettag $0x0;
	lr =	simm.s32 $0x1  }
0x2: {  	[smem:$0x3F99] =	sst lr;
	_ =	strace $0xD0000000  }
0x3: {  	_ = 	snop  }
0x4: {  	_ = 	snop  }
0x5: {  	_ = 	snop  }
0x6: {  	_ = 	snop  }
0x7: {  	_ = 	snop  }
__scs_overlays_trampoline_lowered:
0x8: {  	[smem:$0x3FA8] =	sst s0  }
0x9: {  	[smem:$0x3FA9] =	sst s1  }
0xa: {  	[smem:$0x3FAA] =	sst s2  }
0xb: {  	[smem:$0x3FAB] =	sst s3  }
0xc: {  	[smem:$0x3FAC] =	sst s4  }
0xd: {  	[smem:$0x3FAD] =	sst s5  }
0xe: {  	[smem:$0x3FAE] =	sst s6  }
0xf: {  	[smem:$0x3FAF] =	sst s7  }
0x10: {  	[smem:$0x3FB0] =	sst s8  }
0x11: {  	[smem:$0x3FB1] =	sst s9;
	s0 =	simm.s32 @!p0 $0x0  }
0x12: {  	s1 =	sld [smem:$0x3F97];
	s0 =	simm.s32 @p0 $0x1  }
0x13: {  	[smem:$0x3FB2] =	sst s0;
	s0 =	simm.s32 @!p1 $0x0  }
0x14: {  	s2 =	sld [smem:$0x3F96];
	s0 =	simm.s32 @p1 $0x1  }
0x15: {  	[smem:$0x3FB3] =	sst s0;
	s0 =	simm.s32 @!p2 $0x0  }
0x16: {  	s3 =	sld [smem:$0x3FDB];
	s0 =	simm.s32 @p2 $0x1  }
0x17: {  	s4 =	simm.s32 $0x1BF5;
	[smem:$0x3FB5] =	sst s0  }
0x18: {  	s0 =	sld [smem:$0x3F98];
	_ =	swait.ge [sflag:s4], $0x0  }
0x19: {  	s7 =	sld [smem:$0x3F99]  }
0x1a: {  	s8 =	sadd.s32 $0xFFFFE003, lr  }
0x1b: {  	s9 =	sadd.s32 $0xFFFFFEF7, lr;
	s5 =	simm.s32 $0xFFFFFFFF;
	p2 =	slt.u32 s8, $0xFFFFF086  }
0x1c: {  	p1 =	slt.u32 s9, $0xF7A;
	s5 =	simm.s32 @!p2 $0x0  }
0x1d: {  	s5 =	simm.s32 @p1 $0x1;
	p0 =	seq.s32 s7, s2  }
0x1e: {  	s7 =	smul.u32 @!p0 $0xF7A, s2;
	p2 =	seq.s32 @!p0 s5, $0x0  }
0x1f: {  	s9 =	smul.u32 $0xF7A, s1;
	s8 =	simm.s32 @!p0 $0x1BF5;
	p2 =	por !p2, p0  }
0x20: {  	[sflag:s8] =	ssyncset.s32 @!p0 $0xFFFFF086;
	s6 =	sadd.s32 @!p0 s3, s7;
	s7 =	simm.s32 @!p0 $0x108  }
0x21: {  	s3 =	sadd.s32 s3, s9;
	s6 =	sadd.s32 @!p0 $0x88, s6;
	s7 =	simm.s32 @p2 $0x1082  }
0x22: {  	[simem:s7], [sflag:s8] =	dma.local @!p0 [hbm:s6], $0xF7A  }
0x23: {  	s9 =	sor.u32 $0xD0000000, s2;
	s6 =	simm.s32 $0x108;
	_ =	swait.ge @!p0 [sflag:s8], $0x0  }
0x24: {  	s3 =	sadd.s32 $0x88, s3;
	s6 =	simm.s32 @!p1 $0x1082;
	[sflag:s4] =	ssyncset.s32 $0xFFFFF086  }
0x25: {  	[simem:s6], [sflag:s4] =	dma.local [hbm:s3], $0xF7A  }
0x26: {  	[smem:$0x3F99] =	sst s1;
	(tag) =	ssettag s2;
	_ =	strace s9  }
0x27: {  	s1 =	sld [smem:$0x3FA9]  }
0x28: {  	s2 =	sld [smem:$0x3FAA]  }
0x29: {  	s4 =	sld [smem:$0x3FAC]  }
0x2a: {  	p0 =	seq.s32 s5, $0x0;
	s5 =	sld [smem:$0x3FAD]  }
0x2b: {  	s6 =	sld [smem:$0x3FAE]  }
0x2c: {  	s7 =	sld [smem:$0x3FAF]  }
0x2d: {  	s3 =	simm.s32 $0x108;
	s8 =	sld [smem:$0x3FB0]  }
0x2e: {  	s3 =	simm.s32 @!p0 $0x1082;
	s9 =	sld [smem:$0x3FB1]  }
0x2f: {  	lr =	sadd.s32 s0, s3;
	s0 =	sld [smem:$0x3FA8]  }
0x30: {  	s3 =	sld [smem:$0x3FAB]  }
0x31: {  	[smem:$0x3FB4] =	sst s10  }
0x32: {  	s10 =	sld [smem:$0x3FB2];
	_ =	sdelay $0x3  }
0x33: {  	p0 =	seq.s32 s10, $0x1;
	s10 =	sld [smem:$0x3FB4];
	_ =	sdelay $0x3  }
0x34: {  	[smem:$0x3FB4] =	sst s10  }
0x35: {  	s10 =	sld [smem:$0x3FB3];
	_ =	sdelay $0x3  }
0x36: {  	p1 =	seq.s32 s10, $0x1;
	s10 =	sld [smem:$0x3FB4];
	_ =	sdelay $0x3  }
0x37: {  	[smem:$0x3FB4] =	sst s10  }
0x38: {  	s10 =	sld [smem:$0x3FB5]  }
0x39: {  	_ = 	snop;
	(pc) =	sbr.ind lr, $3  }
0x3a: {  	_ = 	snop  }
0x3b: {  	_ = 	snop  }
0x3c: {  	p2 =	seq.s32 s10, $0x1;
	s10 =	sld [smem:$0x3FB4]  }
0x3d: {  	_ =	shalt  }
0x3e: {  	_ =	shalt  }
0x3f: {  	_ =	shalt  }
0x40: {  	_ =	shalt  }
0x41: {  	_ =	shalt  }
0x42: {  	_ =	shalt  }
0x43: {  	_ =	shalt  }
0x44: {  	_ =	shalt  }
0x45: {  	_ =	shalt  }
0x46: {  	_ =	shalt  }
0x47: {  	_ =	shalt  }
0x48: {  	_ =	shalt  }
0x49: {  	_ =	shalt  }
0x4a: {  	_ =	shalt  }
0x4b: {  	_ =	shalt  }
0x4c: {  	_ =	shalt  }
0x4d: {  	_ =	shalt  }
0x4e: {  	_ =	shalt  }
0x4f: {  	_ =	shalt  }
0x50: {  	_ =	shalt  }
0x51: {  	_ =	shalt  }
0x52: {  	_ =	shalt  }
0x53: {  	_ =	shalt  }
0x54: {  	_ =	shalt  }
0x55: {  	_ =	shalt  }
0x56: {  	_ =	shalt  }
0x57: {  	_ =	shalt  }
0x58: {  	_ =	shalt  }
0x59: {  	_ =	shalt  }
0x5a: {  	_ =	shalt  }
0x5b: {  	_ =	shalt  }
0x5c: {  	_ =	shalt  }
0x5d: {  	_ =	shalt  }
0x5e: {  	_ =	shalt  }
0x5f: {  	_ =	shalt  }
0x60: {  	_ =	shalt  }
0x61: {  	_ =	shalt  }
0x62: {  	_ =	shalt  }
0x63: {  	_ =	shalt  }
0x64: {  	_ =	shalt  }
0x65: {  	_ =	shalt  }
0x66: {  	_ =	shalt  }
0x67: {  	_ =	shalt  }
0x68: {  	_ =	shalt  }
0x69: {  	_ =	shalt  }
0x6a: {  	_ =	shalt  }
0x6b: {  	_ =	shalt  }
0x6c: {  	_ =	shalt  }
0x6d: {  	_ =	shalt  }
0x6e: {  	_ =	shalt  }
0x6f: {  	_ =	shalt  }
0x70: {  	_ =	shalt  }
0x71: {  	_ =	shalt  }
0x72: {  	_ =	shalt  }
0x73: {  	_ =	shalt  }
0x74: {  	_ =	shalt  }
0x75: {  	_ =	shalt  }
0x76: {  	_ =	shalt  }
0x77: {  	_ =	shalt  }
0x78: {  	_ =	shalt  }
0x79: {  	_ =	shalt  }
0x7a: {  	_ =	shalt  }
0x7b: {  	_ =	shalt  }
0x7c: {  	_ =	shalt  }
0x7d: {  	_ =	shalt  }
0x7e: {  	_ =	shalt  }
0x7f: {  	_ =	shalt  }
0x80: {  	_ =	shalt  }
0x81: {  	_ =	shalt  }
0x82: {  	_ =	shalt  }
0x83: {  	_ =	shalt  }
0x84: {  	_ =	shalt  }
0x85: {  	_ =	shalt  }
0x86: {  	_ =	shalt  }
0x87: {  	_ =	shalt  }
.Lfunc_end0:
.L_simem_size_0:
called_computation_lowered:
.L_overlay_start_0:
0x88: {  	s2 =	sld [smem:$0x3FD9]  }
0x89: {  	s3 =	sld [smem:$0x3FFE];
	_ =	sdelay $0x1  }
0x8a: {  	s1 =	srdreg.scid  }
0x8b: {  	s0 =	sand.u32 $0x1, s1  }
0x8c: {  	s17 =	sshll.u32 s0, $0xA;
	s2 =	sadd.s32 s3, s2  }
0x8d: {  	s2 =	sadd.s32 s2, s17  }
0x8e: {  	[smem:$0x3FC0] =	sst s2  }
0x8f: {  	_ = 	snop  }
0x90: {  	s2 =	sld [smem:$0x3FD0];
	(tm) =	ssettm $0x1  }
0x91: {  	s18 =	sld [smem:$0x3FFB];
	_ =	sdelay $0x3  }
0x92: {  	_ =	strace s18  }
0x93: {  	s3 =	sld [smem:$0x3FFC];
	_ =	sdelay $0x3  }
0x94: {  	_ =	strace s3  }
0x95: {  	s3 =	sld [smem:$0x3FFD];
	_ =	sdelay $0x3  }
0x96: {  	_ =	strace s3  }
0x97: {  	_ =	strace $0x8FFFFFFF  }
0x98: {  	s19 =	sld [smem:$0x3FDB];
	_ =	sdelay $0x1  }
0x99: {  	s4 =	simm.s32 $_scs_section_size  }
0x9a: {  	s5 =	simm.s32 $_size__tile_overlayer_lowered;
	s6 =	simm.s32 $_tile_overlayer_lowered  }
0x9b: {  	s22 =	simm.s32 $0x1BFF;
	s21 =	sshll.u32 s6, $0x1;
	s3 =	sadd.s32 s4, s19  }
0x9c: {  	s7 =	simm.s32 $0x0;
	s20 =	sshll.u32 s5, $0x1;
	s5 =	sadd.s32 s21, s3  }
0x9d: {  	[timem:s7], [sflag:s22] =	dma.local [hbm:s5], s20  }
0x9e: {  	_ =	swait.ge [sflag:s22], s20  }
0x9f: {  	s4 =	ssub.s32 $0x0, s20;
	[sflag:s22] =	ssyncset.done $0x0  }
0xa0: {  	[sflag:s22] =	ssyncadd.s32 s4;
	_ =	sdelay $0x1  }
0xa1: {  	s23 =	simm.s32 $0x1B8B  }
0xa2: {  	_ =	swait.ge [sflag:s23], $0x1  }
0xa3: {  	[sflag:s23] =	ssyncset.done $0x0  }
0xa4: {  	s25 =	simm.s32 $0x1B8E;
	s24 =	sld [smem:$0x3FFE];
	[sflag:s23] =	ssyncadd.s32 $0xFFFFFFFF  }
0xa5: {  	s26 =	simm.s32 $execute0_lowered;
	[smem:$0x3FD2] =	sst s25  }
0xa6: {  	s5 =	sshll.u32 s26, $0x1;
	_ =	strace $0x80000046;
	[dreg:$0x1] =	wrdreg $0xFFFFFFFF  }
0xa7: {  	s28 =	simm.s32 $_size_execute0_lowered;
	s3 =	sadd.s32 s3, s5;
	[dreg:$0x0] =	wrdreg $0x0  }
0xa8: {  	s5 =	sshll.u32 s28, $0x1;
	[dreg:$0x2] =	wrdreg s3  }
0xa9: {  	[dreg:$0x3] =	wrdreg s5  }
0xaa: {  	[dreg:$0x4] =	wrdreg $0xC0  }
0xab: {  	_ =	task [dreg:s7], $0x5FFFF  }
0xac: {  	[dreg:$0x1] =	wrdreg $0xFFFFFFFF  }
0xad: {  	[dreg:$0x0] =	wrdreg $0x60  }
0xae: {  	[dreg:$0x2] =	wrdreg s24  }
0xaf: {  	[dreg:$0x3] =	wrdreg s2  }
0xb0: {  	[dreg:$0x4] =	wrdreg $0x0  }
0xb1: {  	[dreg:$0x5] =	wrdreg $0x9  }
0xb2: {  	_ =	task.clear_ibuf [dreg:s7], $0x6FFFF;
	_ =	strace $0x90000046  }
0xb3: {  	s29 =	simm.s32 $0x9;
	_ =	strace $0x80000048  }
0xb4: {  	_ =	swait.ge [sflag:s29], $0x1  }
0xb5: {  	[sflag:s29] =	ssyncadd.s32 $0xFFFFFFFF  }
0xb6: {  	_ =	strace $0x90000048  }
0xb7: {  	_ =	sfence  }
0xb8: {  	s30 =	sld [smem:$0x0];
	_ =	sdelay $0x2  }
0xb9: {  	s31 =	sshll.u32 s1, $0xD;
	s1 =	sshrl.u32 s1, $0x2  }
0xba: {  	s3 =	sand.u32 $0x4000, s31;
	s1 =	sadd.s32 s1, s30  }
0xbb: {  	s0 =	sor.u32 s3, s0;
	s1 =	sshll.u32 s1, $0x11  }
0xbc: {  	s0 =	sor.u32 s1, s0  }
0xbd: {  	s0 =	sadd.s32 $0x8F2B, s0  }
0xbe: {  	[sflag:s0] =	ssyncadd.remote.s32 $0x1  }
0xbf: {  	_ =	sfence.sel $0xFFFF  }
0xc0: {  	[dreg:$0x0] =	wrdreg $0xFFFFFFFF;
	(pc) =	sbr.abs _section_cstart, $3  }
0xc1: {  	[dreg:$0x1] =	wrdreg $0xFFFFFFFF  }
0xc2: {  	_ =	task.clear_ibuf [dreg:s7], $0x2FFFF;
	_ =	strace $0x9FFFFFFF  }
0xc3: {  	(tm) =	ssettm $0x7FFFFFFF  }
tec
execute0_lowered:
.L_overlay_start_1:
0x0: {  	(tag) =	ssettag $0x1  }
0x1: {  	s6 =	rddreg [dreg:$0x0]  }
0x2: {  	s1 =	srdreg.scid;
	s2 =	rddreg [dreg:$0x1]  }
0x3: {  	s0 =	stileid.u32;
	s3 =	rddreg [dreg:$0x2];
	s4 =	simm.s32 $0x0  }
0x4: {  	s14 =	simm.s32 $0x80;
	s15 =	simm.s32 $0x20;
	s16 =	simm.s32 $0x10  }
0x5: {  	s17 =	simm.s32 $0x0;
	s7 =	sand.u32 $0x1, s1;
	s1 =	rddreg [dreg:$0x3]  }
0x6: {  	s29 =	sshll.u32 s0, $0x1;
	[smem:$0x7FF] =	sst s4;
	s8 =	smul.u32 $0x500, s0  }
0x7: {  	s30 =	smul.u32 $0xA00, s0;
	s12 =	sshll.u32 s0, $0x6;
	s5 =	sor.u32 s7, s29  }
0x8: {  	_ =	strace $0x80000047;
	s9 =	sshll.u32 s7, $0x7;
	s7 =	ssub.s32 $0x2, s7  }
0x9: {  	s12 =	sor.u32 $0x1C01, s12;
	s5 =	smul.u32 $0x500, s5;
	s8 =	sor.u32 s9, s8  }
0xa: {  	s31 =	sshrl.u32 s7, $0x1;
	s9 =	sshrl.u32 s30, $0x2;
	s8 =	sshrl.u32 s8, $0x3  }
0xb: {  	s11 =	ssub.s32 s7, s31;
	s13 =	sadd.s32 s9, s3;
	s9 =	simm.s32 $0x280  }
0xc: {  	s10 =	sadd.s32 s5, s6;
	s5 =	sadd.s32 $0xB400, s6;
	s8 =	sadd.s32 s8, s6  }
0xd: {  	s13 =	sshrl.u32 s13, $0x3;
	s6 =	sadd.s32 $0x1400, s10;
	s7 =	sadd.s32 $0xB600, s8  }
0xe: {  	s8 =	smax.u32 s11, $0x1;
	s10 =	simm.s32 $0x1;
	s11 =	simm.s32 $0x2A80  }
.LBB2_1:
0xf: {  	[tilespmem:s9], [sflag:$0x1] =	stream.linear.gather [hbm4b:s6+s4], $0x2800, $0x38;
	[tilespmem:$0x2B00] =	vst v63  }
0x10: {  	_ =	swait.ge [sflag:s10], $0x2800  }
0x11: {  	[sflag:s10] =	ssyncset.done $0x0  }
0x12: {  	[sflag:s10] =	ssyncadd.s32 $0xFFFFD800  }
0x13: {  	[tilespmem:s11], [sflag:$0x1] =	stream.linear.gather [hbm4b:s5+s4], $0x80, $0x38;
	[tilespmem:$0x2B00] =	vst v63  }
0x14: {  	_ =	swait.ge [sflag:s10], $0x80  }
0x15: {  	[sflag:s10] =	ssyncset.done $0x0  }
0x16: {  	[sflag:s10] =	ssyncadd.s32 $0xFFFFFF80  }
0x17: {  	[spmem:s13], [sflag:s12] =	dma.local [hbm:s2], $0x50  }
0x18: {  	_ =	swait.ge [sflag:s10], $0x50  }
0x19: {  	[sflag:s10] =	ssyncset.done $0x0  }
0x1a: {  	[sflag:s10] =	ssyncadd.s32 $0xFFFFFFB0  }
0x1b: {  	s18 =	simm.s32 $0x280;
	[bflag:$0x0] =	sbarrier.arrive $0xFFFF  }
0x1c: {  	[spmem:s3] =	stream.indirect.scatter.add.f32 [tilespmem:s11], [sflag:$0x1], $0x1, s18, s14, $0xb8;
	[tilespmem:$0x2B00] =	vst v63  }
0x1d: {  	s18 =	simm.s32 $0x200;
	_ =	swait.ge [sflag:s10], $0x80  }
.LBB2_2:
0x1e: {  	s19 =	sshra.s32 s18, $0x2;
	[sflag:s10] =	ssyncset.done $0x0;
	p0 =	sne.s32 s18, $0x9E00  }
.Ltmp0:
0x1f: {  	s19 =	sadd.s32 $0x280, s19;
	[sflag:s10] =	ssyncadd.s32 $0xFFFFFF80;
	(pc) =	sbr.rel @p0 .LBB2_2-.Ltmp0, $3  }
0x20: {  	[spmem:s3] =	stream.indirect.scatter.add.f32 [tilespmem:s11], [sflag:$0x1], $0x1, s19, s14, $0xb8;
	[tilespmem:$0x2B00] =	vst v63  }
0x21: {  	s18 =	sadd.s32 $0x200, s18;
	_ =	sdelay $0x1  }
0x22: {  	_ =	swait.ge [sflag:s10], $0x80  }
0x23: {  	[sflag:s10] =	ssyncset.done $0x0;
	s17 =	sadd.s32 $0x1, s17  }
0x24: {  	[sflag:s10] =	ssyncadd.s32 $0xFFFFFF80;
	p0 =	sne.s32 s17, s8  }
.Ltmp1:
0x25: {  	[bflag:$0x0] =	sbarrier.arrive $0xFFFF;
	(pc) =	sbr.rel @p0 .LBB2_1-.Ltmp1, $4  }
0x26: {  	[hbm:s7@s15], [sflag:s12] =	dma.strided [spmem:s13@s16], $0x50, s10, $0x10   }
0x27: {  	_ =	swait.ge [sflag:s10], $0x50  }
0x28: {  	[sflag:s10] =	ssyncset.done $0x0  }
0x29: {  	[sflag:s10] =	ssyncadd.s32 $0xFFFFFFB0  }
0x2a: {  	_ =	sfence.sel $0x180000  }
0x2b: {  	[bflag:$0x0] =	sbarrier.arrive $0xFFFF  }
0x2c: {  	p0 =	sne.s32 s0, $0x0;
	_ =	strace $0x90000047  }
0x2d: {  	s0 =	sadd.s32 @!p0 $0x100000, s1;
	[bflag:$0x2] =	sbarrier.arrive $0xFFFF  }
0x2e: {  	[sflag:s0] =	ssyncadd.tile.s32 @!p0 $0x1;
	_ =	shalt  }
.Lfunc_end2:
_tile_overlayer_lowered:
.L_overlay_start_2:
0x2f: {  	(tag) =	ssettag $0x2  }
0x30: {  	s0 =	rddreg [dreg:$0x0];
	s2 =	stileid.u32  }
0x31: {  	s1 =	rddreg [dreg:$0x1];
	p0 =	sne.s32 s2, $0x0  }
0x32: {  	s3 =	rddreg [dreg:$0x2];
	[bflag:$0x3] =	sbarrier.arrive $0xFFFF;
	s2 =	simm.s32 @!p0 $0x1C01  }
0x33: {  	[timem:s3], [sflag:s2] =	dma.local @!p0 [hbm:s0], s1  }
0x34: {  	s0 =	simm.s32 @!p0 $0x1  }
0x35: {  	_ =	swait.ge @!p0 [sflag:s0], s1  }
0x36: {  	s1 =	ssub.s32 @!p0 $0x0, s1;
	[sflag:s0] =	ssyncset.done @!p0 $0x0  }
0x37: {  	[sflag:s0] =	ssyncadd.s32 @!p0 s1  }
0x38: {  	[bflag:$0x3] =	sbarrier.arrive $0xFFFF  }
0x39: {  	_ =	shalt  }

</sc_bundles>
